<compile_context>
chip_gen: v7x
topology: tpu7x:2x2x1
jax: 0.10.2.dev20260603
libtpu: 0.0.44.dev20260713+nightly
codegen_flags: <defaults>
</compile_context>

<pallas_src>
import functools

import jax
import jax.numpy as jnp
from jax import lax
from jax.experimental import pallas as pl
from jax.experimental.pallas import tpu as pltpu
from jax.experimental.pallas import tpu_sc as plsc

B = 32
N = 1024
D = 128
V = 2048

CBLK = 1024
NCH = 8
CH = 128
NBUF = 4


def _tc_body(x_ref, adj_ref, idx_ref):
    cb = pl.program_id(1)
    xb = x_ref[0]
    c0 = cb * CBLK
    row = lax.broadcasted_iota(jnp.int32, (N, CBLK), 0)
    col = lax.broadcasted_iota(jnp.int32, (N, CBLK), 1) + c0
    adj_ref[0] = xb + (row == col).astype(jnp.float32)
    total = None
    for w in range(4):
        acc = xb[w * 256:w * 256 + 8]
        for k in range(1, 32):
            acc = acc + xb[w * 256 + 8 * k:w * 256 + 8 * k + 8]
        t = acc[0:4] + acc[4:8]
        u = t[0:2] + t[2:4]
        v = u[0:1] + u[1:2]
        total = v if total is None else total + v
    idx_ref[0] = total.astype(jnp.int32)


_tc_call = pl.pallas_call(
    _tc_body,
    grid=(B, N // CBLK),
    in_specs=[
        pl.BlockSpec((1, N, CBLK), lambda b, cb: (b, 0, cb)),
    ],
    out_specs=[
        pl.BlockSpec((1, N, CBLK), lambda b, cb: (b, 0, cb)),
        pl.BlockSpec((1, 1, CBLK), lambda b, cb: (b, 0, cb)),
    ],
    out_shape=[
        jax.ShapeDtypeStruct((B, N, N), jnp.float32),
        jax.ShapeDtypeStruct((B, 1, N), jnp.int32),
    ],
)


_sc_mesh = plsc.VectorSubcoreMesh(core_axis_name="c", subcore_axis_name="s")


@functools.partial(
    pl.kernel,
    mesh=_sc_mesh,
    compiler_params=pltpu.CompilerParams(needs_layout_passes=False),
    out_type=jax.ShapeDtypeStruct((B, N, D), jnp.float32),
    scratch_types=[
        pltpu.VMEM((NCH, CH), jnp.int32),
        pltpu.VMEM((NBUF, CH, D), jnp.float32),
        pltpu.VMEM_SHARED((V, D), jnp.float32),
        pltpu.SemaphoreType.DMA,
        pltpu.SemaphoreType.DMA,
    ],
)
def _sc_gather(table_hbm, idx_hbm, out_hbm, idx_v, rows_v, table_sp, gsem, wsem):
    sid = lax.axis_index("s")
    wid = sid * 2 + lax.axis_index("c")
    b = wid
    vs = V // 16
    pltpu.sync_copy(
        table_hbm.at[pl.ds(sid * vs, vs)], table_sp.at[pl.ds(sid * vs, vs)]
    )
    pltpu.sync_copy(idx_hbm.at[b], idx_v)
    plsc.subcore_barrier()
    prev_writes = []
    for g in range(NCH // NBUF):
        gathers = []
        for j in range(NBUF):
            c = g * NBUF + j
            if prev_writes:
                prev_writes[j].wait()
            gathers.append(
                pltpu.async_copy(table_sp.at[idx_v.at[c]], rows_v.at[j], gsem)
            )
        writes = []
        for j in range(NBUF):
            c = g * NBUF + j
            gathers[j].wait()
            writes.append(
                pltpu.async_copy(
                    rows_v.at[j], out_hbm.at[b, pl.ds(c * CH, CH)], wsem
                )
            )
        prev_writes = writes
    for wcopy in prev_writes:
        wcopy.wait()


def _tr_body(g_ref, out_ref):
    for i in range(4):
        out_ref[i] = g_ref[i].T


_tr_call = pl.pallas_call(
    _tr_body,
    grid=(B // 4,),
    in_specs=[pl.BlockSpec((4, N, D), lambda b: (b, 0, 0))],
    out_specs=pl.BlockSpec((4, D, N), lambda b: (b, 0, 0)),
    out_shape=jax.ShapeDtypeStruct((B, D, N), jnp.float32),
    compiler_params=pltpu.CompilerParams(dimension_semantics=("parallel",)),
)


def kernel(x, table):
    adj, idx = _tc_call(x)
    idx = idx.reshape(B, NCH, CH)
    rows = _sc_gather(table, idx)
    embed = _tr_call(rows)
    return adj, embed

# --- scband reference (transcript-rebuilt; emitter-appended) ---
"""Pipeline reference for scband-embedding-layer-30210799960865 (READ-ONLY COPY).

The authoritative reference and input builder live on the scoring server;
editing this copy changes nothing except your own understanding.
"""

import jax, jax.numpy as jnp
import numpy as np

NODE_NUMBER = 2048
EMBED_SIZE = 128
B, N = 32, 1024

def setup_inputs(seed: int = 0) -> dict:
    key = jax.random.key(seed)
    k1, k2 = jax.random.split(key)
    x = jax.random.uniform(k1, (B, N, N), dtype=jnp.float32)
    # nn.Embedding weight with xavier_uniform init on rows 1: and padding_idx=0 zeroed
    limit = float(np.sqrt(6.0 / ((NODE_NUMBER - 1) + EMBED_SIZE)))
    table = jax.random.uniform(k2, (NODE_NUMBER, EMBED_SIZE), minval=-limit, maxval=limit, dtype=jnp.float32)
    table = table.at[0].set(0.0)
    return {"x": x, "table": table}

def reference(x, table):
    # degree = torch.sum(x, dim=1) -> [B, N]
    degree = jnp.sum(x, axis=1)
    idx = degree.astype(jnp.int32)
    # embedding lookup then permute(0, 2, 1) -> [B, D, N]
    embed = jnp.take(table, idx, axis=0)
    embed = jnp.transpose(embed, (0, 2, 1))
    # adj = x + eye(N, N)
    adj = (x + jnp.eye(x.shape[1], x.shape[2], dtype=jnp.float32)).astype(jnp.float32)
    return adj, embed

if __name__ == "__main__":
    import jax
    _d = setup_inputs()
    print(jax.jit(kernel)(*tuple(_d.values())))

</pallas_src>

<mosaic_0001>
#map = affine_map<(d0, d1) -> (0, 0)>
#map1 = affine_map<(d0, d1) -> (0, 0, 0)>
module attributes {stable_mosaic.version = 14 : i64} {
  func.func @_sc_gather(%arg0: i32, %arg1: i32, %arg2: memref<2048x128xf32, #tpu.memory_space<hbm>>, %arg3: memref<32x8x128xi32, #tpu.memory_space<hbm>>, %arg4: memref<32x1024x128xf32, #tpu.memory_space<hbm>>, %arg5: memref<8x128xi32, #tpu.memory_space<vmem>>, %arg6: memref<4x128x128xf32, #tpu.memory_space<vmem>>, %arg7: memref<2048x128xf32, #tpu.memory_space<vmem_shared>>, %arg8: memref<!tpu.dma_semaphore, #tpu.memory_space<semaphore_mem>>, %arg9: memref<!tpu.dma_semaphore, #tpu.memory_space<semaphore_mem>>) attributes {dimension_semantics = [#tpu.dimension_semantics<core_parallel>, #tpu.dimension_semantics<subcore_parallel>], iteration_bounds = array<i64: 2, 16>, scalar_prefetch = 0 : i64, scratch_operands = 5 : i64, tpu.core_type = #tpu.core_type<sc_vector_subcore>, window_params = [{transform_indices = #map}, {transform_indices = #map1}, {transform_indices = #map1}]} {
    %mul3A = arith.constant 2 : i32
    %mul3A_0 = arith.muli %arg1, %mul3A : i32
    %add3A = arith.addi %mul3A_0, %arg0 : i32
    %mul3A_1 = arith.constant 128 : i32
    %mul3A_2 = arith.muli %arg1, %mul3A_1 : i32
    %mul3A_3 = arith.constant 128 : i32
    %mul3A_4 = arith.muli %arg1, %mul3A_3 : i32
    "tpu.region"() ({
      %run_scoped3A = tpu.sem_alloc : memref<!tpu.dma_semaphore, #tpu.memory_space<semaphore_mem>>
      %dma_start3A_467 = arith.constant 0 : i32
      %dma_start3A_468 = tpu.memref_slice %arg7[%mul3A_4, %dma_start3A_467] : memref<2048x128xf32, #tpu.memory_space<vmem_shared>> -> memref<128x128xf32, #tpu.memory_space<vmem_shared>>
      %dma_start3A_469 = arith.constant 0 : i32
      %dma_start3A_470 = tpu.memref_slice %arg2[%mul3A_2, %dma_start3A_469] : memref<2048x128xf32, #tpu.memory_space<hbm>> -> memref<128x128xf32, #tpu.memory_space<hbm>>
      tpu.enqueue_dma source(%dma_start3A_470 : memref<128x128xf32, #tpu.memory_space<hbm>>) target(%dma_start3A_468 : memref<128x128xf32, #tpu.memory_space<vmem_shared>>) target_semaphore(%run_scoped3A : memref<!tpu.dma_semaphore, #tpu.memory_space<semaphore_mem>>)
      %dma_wait3A_471 = arith.constant 0 : i32
      %dma_wait3A_472 = tpu.memref_slice %arg7[%mul3A_4, %dma_wait3A_471] : memref<2048x128xf32, #tpu.memory_space<vmem_shared>> -> memref<128x128xf32, #tpu.memory_space<vmem_shared>>
      %dma_wait3A_473 = arith.constant 0 : i32
      %dma_wait3A_474 = tpu.memref_slice %arg2[%mul3A_2, %dma_wait3A_473] : memref<2048x128xf32, #tpu.memory_space<hbm>> -> memref<128x128xf32, #tpu.memory_space<hbm>>
      tpu.wait_dma2 semaphore(%run_scoped3A : memref<!tpu.dma_semaphore, #tpu.memory_space<semaphore_mem>>) src(%dma_wait3A_474 : memref<128x128xf32, #tpu.memory_space<hbm>>) dst(%dma_wait3A_472 : memref<128x128xf32, #tpu.memory_space<vmem_shared>>)
      tpu.yield
    }) : () -> ()
    "tpu.region"() ({
      %run_scoped3A = tpu.sem_alloc : memref<!tpu.dma_semaphore, #tpu.memory_space<semaphore_mem>>
      %dma_start3A_467 = arith.constant 0 : i32
      %dma_start3A_468 = arith.constant 0 : i32
      %dma_start3A_469 = tpu.memref_slice %arg3[%add3A, %dma_start3A_467, %dma_start3A_468] : memref<32x8x128xi32, #tpu.memory_space<hbm>> -> memref<1x8x128xi32, #tpu.memory_space<hbm>>
      %dma_start3A_470 = tpu.memref_squeeze %dma_start3A_469 : memref<1x8x128xi32, #tpu.memory_space<hbm>> -> memref<8x128xi32, #tpu.memory_space<hbm>>
      %dma_start3A_471 = arith.constant 0 : i32
      %dma_start3A_472 = arith.constant 0 : i32
      %dma_start3A_473 = tpu.memref_slice %arg3[%add3A, %dma_start3A_471, %dma_start3A_472] : memref<32x8x128xi32, #tpu.memory_space<hbm>> -> memref<1x8x128xi32, #tpu.memory_space<hbm>>
      %dma_start3A_474 = tpu.memref_squeeze %dma_start3A_473 : memref<1x8x128xi32, #tpu.memory_space<hbm>> -> memref<8x128xi32, #tpu.memory_space<hbm>>
      tpu.enqueue_dma source(%dma_start3A_474 : memref<8x128xi32, #tpu.memory_space<hbm>>) target(%arg5 : memref<8x128xi32, #tpu.memory_space<vmem>>) target_semaphore(%run_scoped3A : memref<!tpu.dma_semaphore, #tpu.memory_space<semaphore_mem>>)
      %dma_wait3A_475 = arith.constant 0 : i32
      %dma_wait3A_476 = arith.constant 0 : i32
      %dma_wait3A_477 = tpu.memref_slice %arg3[%add3A, %dma_wait3A_475, %dma_wait3A_476] : memref<32x8x128xi32, #tpu.memory_space<hbm>> -> memref<1x8x128xi32, #tpu.memory_space<hbm>>
      %dma_wait3A_478 = tpu.memref_squeeze %dma_wait3A_477 : memref<1x8x128xi32, #tpu.memory_space<hbm>> -> memref<8x128xi32, #tpu.memory_space<hbm>>
      %dma_wait3A_479 = arith.constant 0 : i32
      %dma_wait3A_480 = arith.constant 0 : i32
      %dma_wait3A_481 = tpu.memref_slice %arg3[%add3A, %dma_wait3A_479, %dma_wait3A_480] : memref<32x8x128xi32, #tpu.memory_space<hbm>> -> memref<1x8x128xi32, #tpu.memory_space<hbm>>
      %dma_wait3A_482 = tpu.memref_squeeze %dma_wait3A_481 : memref<1x8x128xi32, #tpu.memory_space<hbm>> -> memref<8x128xi32, #tpu.memory_space<hbm>>
      tpu.wait_dma2 semaphore(%run_scoped3A : memref<!tpu.dma_semaphore, #tpu.memory_space<semaphore_mem>>) src(%dma_wait3A_482 : memref<8x128xi32, #tpu.memory_space<hbm>>) dst(%arg5 : memref<8x128xi32, #tpu.memory_space<vmem>>)
      tpu.yield
    }) : () -> ()
    %barrier3A = arith.constant 0 : index
    tpu.barrier barrier_id(%barrier3A)
    %dma_start3A = arith.constant 0 : i32
    %dma_start3A_5 = arith.constant 0 : i32
    %dma_start3A_6 = arith.constant 0 : i32
    %dma_start3A_7 = arith.constant 0 : i32
    %dma_start3A_8 = tpu.memref_slice %arg6[%dma_start3A_5, %dma_start3A_6, %dma_start3A_7] : memref<4x128x128xf32, #tpu.memory_space<vmem>> -> memref<1x128x128xf32, #tpu.memory_space<vmem>>
    %dma_start3A_9 = tpu.memref_squeeze %dma_start3A_8 : memref<1x128x128xf32, #tpu.memory_space<vmem>> -> memref<128x128xf32, #tpu.memory_space<vmem>>
    %dma_start3A_10 = arith.constant 0 : i32
    %dma_start3A_11 = tpu.memref_slice %arg5[%dma_start3A, %dma_start3A_10] : memref<8x128xi32, #tpu.memory_space<vmem>> -> memref<1x128xi32, #tpu.memory_space<vmem>>
    %dma_start3A_12 = tpu.memref_squeeze %dma_start3A_11 : memref<1x128xi32, #tpu.memory_space<vmem>> -> memref<128xi32, #tpu.memory_space<vmem>>
    %dma_start3A_13 = arith.constant 0 : i32
    %dma_start3A_14 = arith.constant 0 : i32
    %dma_start3A_15 = tpu.memref_slice %arg7[%dma_start3A_13, %dma_start3A_14] : memref<2048x128xf32, #tpu.memory_space<vmem_shared>> -> memref<2048x128xf32, #tpu.memory_space<vmem_shared>>
    tpu.enqueue_indirect_dma source(%dma_start3A_15 : memref<2048x128xf32, #tpu.memory_space<vmem_shared>>) target(%dma_start3A_9 : memref<128x128xf32, #tpu.memory_space<vmem>>) offsets(%dma_start3A_12 : memref<128xi32, #tpu.memory_space<vmem>>) semaphore(%arg8 : memref<!tpu.dma_semaphore, #tpu.memory_space<semaphore_mem>>)
    %dma_start3A_16 = arith.constant 1 : i32
    %dma_start3A_17 = arith.constant 1 : i32
    %dma_start3A_18 = arith.constant 0 : i32
    %dma_start3A_19 = arith.constant 0 : i32
    %dma_start3A_20 = tpu.memref_slice %arg6[%dma_start3A_17, %dma_start3A_18, %dma_start3A_19] : memref<4x128x128xf32, #tpu.memory_space<vmem>> -> memref<1x128x128xf32, #tpu.memory_space<vmem>>
    %dma_start3A_21 = tpu.memref_squeeze %dma_start3A_20 : memref<1x128x128xf32, #tpu.memory_space<vmem>> -> memref<128x128xf32, #tpu.memory_space<vmem>>
    %dma_start3A_22 = arith.constant 0 : i32
    %dma_start3A_23 = tpu.memref_slice %arg5[%dma_start3A_16, %dma_start3A_22] : memref<8x128xi32, #tpu.memory_space<vmem>> -> memref<1x128xi32, #tpu.memory_space<vmem>>
    %dma_start3A_24 = tpu.memref_squeeze %dma_start3A_23 : memref<1x128xi32, #tpu.memory_space<vmem>> -> memref<128xi32, #tpu.memory_space<vmem>>
    %dma_start3A_25 = arith.constant 0 : i32
    %dma_start3A_26 = arith.constant 0 : i32
    %dma_start3A_27 = tpu.memref_slice %arg7[%dma_start3A_25, %dma_start3A_26] : memref<2048x128xf32, #tpu.memory_space<vmem_shared>> -> memref<2048x128xf32, #tpu.memory_space<vmem_shared>>
    tpu.enqueue_indirect_dma source(%dma_start3A_27 : memref<2048x128xf32, #tpu.memory_space<vmem_shared>>) target(%dma_start3A_21 : memref<128x128xf32, #tpu.memory_space<vmem>>) offsets(%dma_start3A_24 : memref<128xi32, #tpu.memory_space<vmem>>) semaphore(%arg8 : memref<!tpu.dma_semaphore, #tpu.memory_space<semaphore_mem>>)
    %dma_start3A_28 = arith.constant 2 : i32
    %dma_start3A_29 = arith.constant 2 : i32
    %dma_start3A_30 = arith.constant 0 : i32
    %dma_start3A_31 = arith.constant 0 : i32
    %dma_start3A_32 = tpu.memref_slice %arg6[%dma_start3A_29, %dma_start3A_30, %dma_start3A_31] : memref<4x128x128xf32, #tpu.memory_space<vmem>> -> memref<1x128x128xf32, #tpu.memory_space<vmem>>
    %dma_start3A_33 = tpu.memref_squeeze %dma_start3A_32 : memref<1x128x128xf32, #tpu.memory_space<vmem>> -> memref<128x128xf32, #tpu.memory_space<vmem>>
    %dma_start3A_34 = arith.constant 0 : i32
    %dma_start3A_35 = tpu.memref_slice %arg5[%dma_start3A_28, %dma_start3A_34] : memref<8x128xi32, #tpu.memory_space<vmem>> -> memref<1x128xi32, #tpu.memory_space<vmem>>
    %dma_start3A_36 = tpu.memref_squeeze %dma_start3A_35 : memref<1x128xi32, #tpu.memory_space<vmem>> -> memref<128xi32, #tpu.memory_space<vmem>>
    %dma_start3A_37 = arith.constant 0 : i32
    %dma_start3A_38 = arith.constant 0 : i32
    %dma_start3A_39 = tpu.memref_slice %arg7[%dma_start3A_37, %dma_start3A_38] : memref<2048x128xf32, #tpu.memory_space<vmem_shared>> -> memref<2048x128xf32, #tpu.memory_space<vmem_shared>>
    tpu.enqueue_indirect_dma source(%dma_start3A_39 : memref<2048x128xf32, #tpu.memory_space<vmem_shared>>) target(%dma_start3A_33 : memref<128x128xf32, #tpu.memory_space<vmem>>) offsets(%dma_start3A_36 : memref<128xi32, #tpu.memory_space<vmem>>) semaphore(%arg8 : memref<!tpu.dma_semaphore, #tpu.memory_space<semaphore_mem>>)
    %dma_start3A_40 = arith.constant 3 : i32
    %dma_start3A_41 = arith.constant 3 : i32
    %dma_start3A_42 = arith.constant 0 : i32
    %dma_start3A_43 = arith.constant 0 : i32
    %dma_start3A_44 = tpu.memref_slice %arg6[%dma_start3A_41, %dma_start3A_42, %dma_start3A_43] : memref<4x128x128xf32, #tpu.memory_space<vmem>> -> memref<1x128x128xf32, #tpu.memory_space<vmem>>
    %dma_start3A_45 = tpu.memref_squeeze %dma_start3A_44 : memref<1x128x128xf32, #tpu.memory_space<vmem>> -> memref<128x128xf32, #tpu.memory_space<vmem>>
    %dma_start3A_46 = arith.constant 0 : i32
    %dma_start3A_47 = tpu.memref_slice %arg5[%dma_start3A_40, %dma_start3A_46] : memref<8x128xi32, #tpu.memory_space<vmem>> -> memref<1x128xi32, #tpu.memory_space<vmem>>
    %dma_start3A_48 = tpu.memref_squeeze %dma_start3A_47 : memref<1x128xi32, #tpu.memory_space<vmem>> -> memref<128xi32, #tpu.memory_space<vmem>>
    %dma_start3A_49 = arith.constant 0 : i32
    %dma_start3A_50 = arith.constant 0 : i32
    %dma_start3A_51 = tpu.memref_slice %arg7[%dma_start3A_49, %dma_start3A_50] : memref<2048x128xf32, #tpu.memory_space<vmem_shared>> -> memref<2048x128xf32, #tpu.memory_space<vmem_shared>>
    tpu.enqueue_indirect_dma source(%dma_start3A_51 : memref<2048x128xf32, #tpu.memory_space<vmem_shared>>) target(%dma_start3A_45 : memref<128x128xf32, #tpu.memory_space<vmem>>) offsets(%dma_start3A_48 : memref<128xi32, #tpu.memory_space<vmem>>) semaphore(%arg8 : memref<!tpu.dma_semaphore, #tpu.memory_space<semaphore_mem>>)
    %dma_wait3A = arith.constant 0 : i32
    %dma_wait3A_52 = arith.constant 0 : i32
    %dma_wait3A_53 = arith.constant 0 : i32
    %dma_wait3A_54 = arith.constant 0 : i32
    %dma_wait3A_55 = tpu.memref_slice %arg6[%dma_wait3A_52, %dma_wait3A_53, %dma_wait3A_54] : memref<4x128x128xf32, #tpu.memory_space<vmem>> -> memref<1x128x128xf32, #tpu.memory_space<vmem>>
    %dma_wait3A_56 = tpu.memref_squeeze %dma_wait3A_55 : memref<1x128x128xf32, #tpu.memory_space<vmem>> -> memref<128x128xf32, #tpu.memory_space<vmem>>
    %dma_wait3A_57 = arith.constant 0 : i32
    %dma_wait3A_58 = tpu.memref_slice %arg5[%dma_wait3A, %dma_wait3A_57] : memref<8x128xi32, #tpu.memory_space<vmem>> -> memref<1x128xi32, #tpu.memory_space<vmem>>
    %dma_wait3A_59 = tpu.memref_squeeze %dma_wait3A_58 : memref<1x128xi32, #tpu.memory_space<vmem>> -> memref<128xi32, #tpu.memory_space<vmem>>
    %dma_wait3A_60 = arith.constant 0 : i32
    %dma_wait3A_61 = arith.constant 0 : i32
    %dma_wait3A_62 = tpu.memref_slice %arg7[%dma_wait3A_60, %dma_wait3A_61] : memref<2048x128xf32, #tpu.memory_space<vmem_shared>> -> memref<2048x128xf32, #tpu.memory_space<vmem_shared>>
    tpu.wait_indirect_dma semaphore(%arg8 : memref<!tpu.dma_semaphore, #tpu.memory_space<semaphore_mem>>) src(%dma_wait3A_62 : memref<2048x128xf32, #tpu.memory_space<vmem_shared>>) dst(%dma_wait3A_56 : memref<128x128xf32, #tpu.memory_space<vmem>>)
    %dma_start3A_63 = arith.constant 0 : i32
    %dma_start3A_64 = arith.constant 0 : i32
    %dma_start3A_65 = arith.constant 0 : i32
    %dma_start3A_66 = tpu.memref_slice %arg6[%dma_start3A_63, %dma_start3A_64, %dma_start3A_65] : memref<4x128x128xf32, #tpu.memory_space<vmem>> -> memref<1x128x128xf32, #tpu.memory_space<vmem>>
    %dma_start3A_67 = tpu.memref_squeeze %dma_start3A_66 : memref<1x128x128xf32, #tpu.memory_space<vmem>> -> memref<128x128xf32, #tpu.memory_space<vmem>>
    %dma_start3A_68 = arith.constant 0 : i32
    %dma_start3A_69 = arith.constant 0 : i32
    %dma_start3A_70 = tpu.memref_slice %arg4[%add3A, %dma_start3A_68, %dma_start3A_69] : memref<32x1024x128xf32, #tpu.memory_space<hbm>> -> memref<1x128x128xf32, #tpu.memory_space<hbm>>
    %dma_start3A_71 = tpu.memref_squeeze %dma_start3A_70 : memref<1x128x128xf32, #tpu.memory_space<hbm>> -> memref<128x128xf32, #tpu.memory_space<hbm>>
    %dma_start3A_72 = arith.constant 0 : i32
    %dma_start3A_73 = arith.constant 0 : i32
    %dma_start3A_74 = tpu.memref_slice %arg4[%add3A, %dma_start3A_72, %dma_start3A_73] : memref<32x1024x128xf32, #tpu.memory_space<hbm>> -> memref<1x128x128xf32, #tpu.memory_space<hbm>>
    %dma_start3A_75 = tpu.memref_squeeze %dma_start3A_74 : memref<1x128x128xf32, #tpu.memory_space<hbm>> -> memref<128x128xf32, #tpu.memory_space<hbm>>
    %dma_start3A_76 = arith.constant 0 : i32
    %dma_start3A_77 = arith.constant 0 : i32
    %dma_start3A_78 = tpu.memref_slice %arg6[%dma_start3A_63, %dma_start3A_76, %dma_start3A_77] : memref<4x128x128xf32, #tpu.memory_space<vmem>> -> memref<1x128x128xf32, #tpu.memory_space<vmem>>
    %dma_start3A_79 = tpu.memref_squeeze %dma_start3A_78 : memref<1x128x128xf32, #tpu.memory_space<vmem>> -> memref<128x128xf32, #tpu.memory_space<vmem>>
    tpu.enqueue_dma source(%dma_start3A_79 : memref<128x128xf32, #tpu.memory_space<vmem>>) target(%dma_start3A_75 : memref<128x128xf32, #tpu.memory_space<hbm>>) target_semaphore(%arg9 : memref<!tpu.dma_semaphore, #tpu.memory_space<semaphore_mem>>)
    %dma_wait3A_80 = arith.constant 1 : i32
    %dma_wait3A_81 = arith.constant 1 : i32
    %dma_wait3A_82 = arith.constant 0 : i32
    %dma_wait3A_83 = arith.constant 0 : i32
    %dma_wait3A_84 = tpu.memref_slice %arg6[%dma_wait3A_81, %dma_wait3A_82, %dma_wait3A_83] : memref<4x128x128xf32, #tpu.memory_space<vmem>> -> memref<1x128x128xf32, #tpu.memory_space<vmem>>
    %dma_wait3A_85 = tpu.memref_squeeze %dma_wait3A_84 : memref<1x128x128xf32, #tpu.memory_space<vmem>> -> memref<128x128xf32, #tpu.memory_space<vmem>>
    %dma_wait3A_86 = arith.constant 0 : i32
    %dma_wait3A_87 = tpu.memref_slice %arg5[%dma_wait3A_80, %dma_wait3A_86] : memref<8x128xi32, #tpu.memory_space<vmem>> -> memref<1x128xi32, #tpu.memory_space<vmem>>
    %dma_wait3A_88 = tpu.memref_squeeze %dma_wait3A_87 : memref<1x128xi32, #tpu.memory_space<vmem>> -> memref<128xi32, #tpu.memory_space<vmem>>
    %dma_wait3A_89 = arith.constant 0 : i32
    %dma_wait3A_90 = arith.constant 0 : i32
    %dma_wait3A_91 = tpu.memref_slice %arg7[%dma_wait3A_89, %dma_wait3A_90] : memref<2048x128xf32, #tpu.memory_space<vmem_shared>> -> memref<2048x128xf32, #tpu.memory_space<vmem_shared>>
    tpu.wait_indirect_dma semaphore(%arg8 : memref<!tpu.dma_semaphore, #tpu.memory_space<semaphore_mem>>) src(%dma_wait3A_91 : memref<2048x128xf32, #tpu.memory_space<vmem_shared>>) dst(%dma_wait3A_85 : memref<128x128xf32, #tpu.memory_space<vmem>>)
    %dma_start3A_92 = arith.constant 1 : i32
    %dma_start3A_93 = arith.constant 0 : i32
    %dma_start3A_94 = arith.constant 0 : i32
    %dma_start3A_95 = tpu.memref_slice %arg6[%dma_start3A_92, %dma_start3A_93, %dma_start3A_94] : memref<4x128x128xf32, #tpu.memory_space<vmem>> -> memref<1x128x128xf32, #tpu.memory_space<vmem>>
    %dma_start3A_96 = tpu.memref_squeeze %dma_start3A_95 : memref<1x128x128xf32, #tpu.memory_space<vmem>> -> memref<128x128xf32, #tpu.memory_space<vmem>>
    %dma_start3A_97 = arith.constant 128 : i32
    %dma_start3A_98 = arith.constant 0 : i32
    %dma_start3A_99 = tpu.memref_slice %arg4[%add3A, %dma_start3A_97, %dma_start3A_98] : memref<32x1024x128xf32, #tpu.memory_space<hbm>> -> memref<1x128x128xf32, #tpu.memory_space<hbm>>
    %dma_start3A_100 = tpu.memref_squeeze %dma_start3A_99 : memref<1x128x128xf32, #tpu.memory_space<hbm>> -> memref<128x128xf32, #tpu.memory_space<hbm>>
    %dma_start3A_101 = arith.constant 128 : i32
    %dma_start3A_102 = arith.constant 0 : i32
    %dma_start3A_103 = tpu.memref_slice %arg4[%add3A, %dma_start3A_101, %dma_start3A_102] : memref<32x1024x128xf32, #tpu.memory_space<hbm>> -> memref<1x128x128xf32, #tpu.memory_space<hbm>>
    %dma_start3A_104 = tpu.memref_squeeze %dma_start3A_103 : memref<1x128x128xf32, #tpu.memory_space<hbm>> -> memref<128x128xf32, #tpu.memory_space<hbm>>
    %dma_start3A_105 = arith.constant 0 : i32
    %dma_start3A_106 = arith.constant 0 : i32
    %dma_start3A_107 = tpu.memref_slice %arg6[%dma_start3A_92, %dma_start3A_105, %dma_start3A_106] : memref<4x128x128xf32, #tpu.memory_space<vmem>> -> memref<1x128x128xf32, #tpu.memory_space<vmem>>
    %dma_start3A_108 = tpu.memref_squeeze %dma_start3A_107 : memref<1x128x128xf32, #tpu.memory_space<vmem>> -> memref<128x128xf32, #tpu.memory_space<vmem>>
    tpu.enqueue_dma source(%dma_start3A_108 : memref<128x128xf32, #tpu.memory_space<vmem>>) target(%dma_start3A_104 : memref<128x128xf32, #tpu.memory_space<hbm>>) target_semaphore(%arg9 : memref<!tpu.dma_semaphore, #tpu.memory_space<semaphore_mem>>)
    %dma_wait3A_109 = arith.constant 2 : i32
    %dma_wait3A_110 = arith.constant 2 : i32
    %dma_wait3A_111 = arith.constant 0 : i32
    %dma_wait3A_112 = arith.constant 0 : i32
    %dma_wait3A_113 = tpu.memref_slice %arg6[%dma_wait3A_110, %dma_wait3A_111, %dma_wait3A_112] : memref<4x128x128xf32, #tpu.memory_space<vmem>> -> memref<1x128x128xf32, #tpu.memory_space<vmem>>
    %dma_wait3A_114 = tpu.memref_squeeze %dma_wait3A_113 : memref<1x128x128xf32, #tpu.memory_space<vmem>> -> memref<128x128xf32, #tpu.memory_space<vmem>>
    %dma_wait3A_115 = arith.constant 0 : i32
    %dma_wait3A_116 = tpu.memref_slice %arg5[%dma_wait3A_109, %dma_wait3A_115] : memref<8x128xi32, #tpu.memory_space<vmem>> -> memref<1x128xi32, #tpu.memory_space<vmem>>
    %dma_wait3A_117 = tpu.memref_squeeze %dma_wait3A_116 : memref<1x128xi32, #tpu.memory_space<vmem>> -> memref<128xi32, #tpu.memory_space<vmem>>
    %dma_wait3A_118 = arith.constant 0 : i32
    %dma_wait3A_119 = arith.constant 0 : i32
    %dma_wait3A_120 = tpu.memref_slice %arg7[%dma_wait3A_118, %dma_wait3A_119] : memref<2048x128xf32, #tpu.memory_space<vmem_shared>> -> memref<2048x128xf32, #tpu.memory_space<vmem_shared>>
    tpu.wait_indirect_dma semaphore(%arg8 : memref<!tpu.dma_semaphore, #tpu.memory_space<semaphore_mem>>) src(%dma_wait3A_120 : memref<2048x128xf32, #tpu.memory_space<vmem_shared>>) dst(%dma_wait3A_114 : memref<128x128xf32, #tpu.memory_space<vmem>>)
    %dma_start3A_121 = arith.constant 2 : i32
    %dma_start3A_122 = arith.constant 0 : i32
    %dma_start3A_123 = arith.constant 0 : i32
    %dma_start3A_124 = tpu.memref_slice %arg6[%dma_start3A_121, %dma_start3A_122, %dma_start3A_123] : memref<4x128x128xf32, #tpu.memory_space<vmem>> -> memref<1x128x128xf32, #tpu.memory_space<vmem>>
    %dma_start3A_125 = tpu.memref_squeeze %dma_start3A_124 : memref<1x128x128xf32, #tpu.memory_space<vmem>> -> memref<128x128xf32, #tpu.memory_space<vmem>>
    %dma_start3A_126 = arith.constant 256 : i32
    %dma_start3A_127 = arith.constant 0 : i32
    %dma_start3A_128 = tpu.memref_slice %arg4[%add3A, %dma_start3A_126, %dma_start3A_127] : memref<32x1024x128xf32, #tpu.memory_space<hbm>> -> memref<1x128x128xf32, #tpu.memory_space<hbm>>
    %dma_start3A_129 = tpu.memref_squeeze %dma_start3A_128 : memref<1x128x128xf32, #tpu.memory_space<hbm>> -> memref<128x128xf32, #tpu.memory_space<hbm>>
    %dma_start3A_130 = arith.constant 256 : i32
    %dma_start3A_131 = arith.constant 0 : i32
    %dma_start3A_132 = tpu.memref_slice %arg4[%add3A, %dma_start3A_130, %dma_start3A_131] : memref<32x1024x128xf32, #tpu.memory_space<hbm>> -> memref<1x128x128xf32, #tpu.memory_space<hbm>>
    %dma_start3A_133 = tpu.memref_squeeze %dma_start3A_132 : memref<1x128x128xf32, #tpu.memory_space<hbm>> -> memref<128x128xf32, #tpu.memory_space<hbm>>
    %dma_start3A_134 = arith.constant 0 : i32
    %dma_start3A_135 = arith.constant 0 : i32
    %dma_start3A_136 = tpu.memref_slice %arg6[%dma_start3A_121, %dma_start3A_134, %dma_start3A_135] : memref<4x128x128xf32, #tpu.memory_space<vmem>> -> memref<1x128x128xf32, #tpu.memory_space<vmem>>
    %dma_start3A_137 = tpu.memref_squeeze %dma_start3A_136 : memref<1x128x128xf32, #tpu.memory_space<vmem>> -> memref<128x128xf32, #tpu.memory_space<vmem>>
    tpu.enqueue_dma source(%dma_start3A_137 : memref<128x128xf32, #tpu.memory_space<vmem>>) target(%dma_start3A_133 : memref<128x128xf32, #tpu.memory_space<hbm>>) target_semaphore(%arg9 : memref<!tpu.dma_semaphore, #tpu.memory_space<semaphore_mem>>)
    %dma_wait3A_138 = arith.constant 3 : i32
    %dma_wait3A_139 = arith.constant 3 : i32
    %dma_wait3A_140 = arith.constant 0 : i32
    %dma_wait3A_141 = arith.constant 0 : i32
    %dma_wait3A_142 = tpu.memref_slice %arg6[%dma_wait3A_139, %dma_wait3A_140, %dma_wait3A_141] : memref<4x128x128xf32, #tpu.memory_space<vmem>> -> memref<1x128x128xf32, #tpu.memory_space<vmem>>
    %dma_wait3A_143 = tpu.memref_squeeze %dma_wait3A_142 : memref<1x128x128xf32, #tpu.memory_space<vmem>> -> memref<128x128xf32, #tpu.memory_space<vmem>>
    %dma_wait3A_144 = arith.constant 0 : i32
    %dma_wait3A_145 = tpu.memref_slice %arg5[%dma_wait3A_138, %dma_wait3A_144] : memref<8x128xi32, #tpu.memory_space<vmem>> -> memref<1x128xi32, #tpu.memory_space<vmem>>
    %dma_wait3A_146 = tpu.memref_squeeze %dma_wait3A_145 : memref<1x128xi32, #tpu.memory_space<vmem>> -> memref<128xi32, #tpu.memory_space<vmem>>
    %dma_wait3A_147 = arith.constant 0 : i32
    %dma_wait3A_148 = arith.constant 0 : i32
    %dma_wait3A_149 = tpu.memref_slice %arg7[%dma_wait3A_147, %dma_wait3A_148] : memref<2048x128xf32, #tpu.memory_space<vmem_shared>> -> memref<2048x128xf32, #tpu.memory_space<vmem_shared>>
    tpu.wait_indirect_dma semaphore(%arg8 : memref<!tpu.dma_semaphore, #tpu.memory_space<semaphore_mem>>) src(%dma_wait3A_149 : memref<2048x128xf32, #tpu.memory_space<vmem_shared>>) dst(%dma_wait3A_143 : memref<128x128xf32, #tpu.memory_space<vmem>>)
    %dma_start3A_150 = arith.constant 3 : i32
    %dma_start3A_151 = arith.constant 0 : i32
    %dma_start3A_152 = arith.constant 0 : i32
    %dma_start3A_153 = tpu.memref_slice %arg6[%dma_start3A_150, %dma_start3A_151, %dma_start3A_152] : memref<4x128x128xf32, #tpu.memory_space<vmem>> -> memref<1x128x128xf32, #tpu.memory_space<vmem>>
    %dma_start3A_154 = tpu.memref_squeeze %dma_start3A_153 : memref<1x128x128xf32, #tpu.memory_space<vmem>> -> memref<128x128xf32, #tpu.memory_space<vmem>>
    %dma_start3A_155 = arith.constant 384 : i32
    %dma_start3A_156 = arith.constant 0 : i32
    %dma_start3A_157 = tpu.memref_slice %arg4[%add3A, %dma_start3A_155, %dma_start3A_156] : memref<32x1024x128xf32, #tpu.memory_space<hbm>> -> memref<1x128x128xf32, #tpu.memory_space<hbm>>
    %dma_start3A_158 = tpu.memref_squeeze %dma_start3A_157 : memref<1x128x128xf32, #tpu.memory_space<hbm>> -> memref<128x128xf32, #tpu.memory_space<hbm>>
    %dma_start3A_159 = arith.constant 384 : i32
    %dma_start3A_160 = arith.constant 0 : i32
    %dma_start3A_161 = tpu.memref_slice %arg4[%add3A, %dma_start3A_159, %dma_start3A_160] : memref<32x1024x128xf32, #tpu.memory_space<hbm>> -> memref<1x128x128xf32, #tpu.memory_space<hbm>>
    %dma_start3A_162 = tpu.memref_squeeze %dma_start3A_161 : memref<1x128x128xf32, #tpu.memory_space<hbm>> -> memref<128x128xf32, #tpu.memory_space<hbm>>
    %dma_start3A_163 = arith.constant 0 : i32
    %dma_start3A_164 = arith.constant 0 : i32
    %dma_start3A_165 = tpu.memref_slice %arg6[%dma_start3A_150, %dma_start3A_163, %dma_start3A_164] : memref<4x128x128xf32, #tpu.memory_space<vmem>> -> memref<1x128x128xf32, #tpu.memory_space<vmem>>
    %dma_start3A_166 = tpu.memref_squeeze %dma_start3A_165 : memref<1x128x128xf32, #tpu.memory_space<vmem>> -> memref<128x128xf32, #tpu.memory_space<vmem>>
    tpu.enqueue_dma source(%dma_start3A_166 : memref<128x128xf32, #tpu.memory_space<vmem>>) target(%dma_start3A_162 : memref<128x128xf32, #tpu.memory_space<hbm>>) target_semaphore(%arg9 : memref<!tpu.dma_semaphore, #tpu.memory_space<semaphore_mem>>)
    %dma_wait3A_167 = arith.constant 0 : i32
    %dma_wait3A_168 = arith.constant 0 : i32
    %dma_wait3A_169 = arith.constant 0 : i32
    %dma_wait3A_170 = tpu.memref_slice %arg6[%dma_wait3A_167, %dma_wait3A_168, %dma_wait3A_169] : memref<4x128x128xf32, #tpu.memory_space<vmem>> -> memref<1x128x128xf32, #tpu.memory_space<vmem>>
    %dma_wait3A_171 = tpu.memref_squeeze %dma_wait3A_170 : memref<1x128x128xf32, #tpu.memory_space<vmem>> -> memref<128x128xf32, #tpu.memory_space<vmem>>
    %dma_wait3A_172 = arith.constant 0 : i32
    %dma_wait3A_173 = arith.constant 0 : i32
    %dma_wait3A_174 = tpu.memref_slice %arg4[%add3A, %dma_wait3A_172, %dma_wait3A_173] : memref<32x1024x128xf32, #tpu.memory_space<hbm>> -> memref<1x128x128xf32, #tpu.memory_space<hbm>>
    %dma_wait3A_175 = tpu.memref_squeeze %dma_wait3A_174 : memref<1x128x128xf32, #tpu.memory_space<hbm>> -> memref<128x128xf32, #tpu.memory_space<hbm>>
    %dma_wait3A_176 = arith.constant 0 : i32
    %dma_wait3A_177 = arith.constant 0 : i32
    %dma_wait3A_178 = tpu.memref_slice %arg4[%add3A, %dma_wait3A_176, %dma_wait3A_177] : memref<32x1024x128xf32, #tpu.memory_space<hbm>> -> memref<1x128x128xf32, #tpu.memory_space<hbm>>
    %dma_wait3A_179 = tpu.memref_squeeze %dma_wait3A_178 : memref<1x128x128xf32, #tpu.memory_space<hbm>> -> memref<128x128xf32, #tpu.memory_space<hbm>>
    %dma_wait3A_180 = arith.constant 0 : i32
    %dma_wait3A_181 = arith.constant 0 : i32
    %dma_wait3A_182 = tpu.memref_slice %arg6[%dma_wait3A_167, %dma_wait3A_180, %dma_wait3A_181] : memref<4x128x128xf32, #tpu.memory_space<vmem>> -> memref<1x128x128xf32, #tpu.memory_space<vmem>>
    %dma_wait3A_183 = tpu.memref_squeeze %dma_wait3A_182 : memref<1x128x128xf32, #tpu.memory_space<vmem>> -> memref<128x128xf32, #tpu.memory_space<vmem>>
    tpu.wait_dma2 semaphore(%arg9 : memref<!tpu.dma_semaphore, #tpu.memory_space<semaphore_mem>>) src(%dma_wait3A_183 : memref<128x128xf32, #tpu.memory_space<vmem>>) dst(%dma_wait3A_179 : memref<128x128xf32, #tpu.memory_space<hbm>>)
    %dma_start3A_184 = arith.constant 4 : i32
    %dma_start3A_185 = arith.constant 0 : i32
    %dma_start3A_186 = arith.constant 0 : i32
    %dma_start3A_187 = arith.constant 0 : i32
    %dma_start3A_188 = tpu.memref_slice %arg6[%dma_start3A_185, %dma_start3A_186, %dma_start3A_187] : memref<4x128x128xf32, #tpu.memory_space<vmem>> -> memref<1x128x128xf32, #tpu.memory_space<vmem>>
    %dma_start3A_189 = tpu.memref_squeeze %dma_start3A_188 : memref<1x128x128xf32, #tpu.memory_space<vmem>> -> memref<128x128xf32, #tpu.memory_space<vmem>>
    %dma_start3A_190 = arith.constant 0 : i32
    %dma_start3A_191 = tpu.memref_slice %arg5[%dma_start3A_184, %dma_start3A_190] : memref<8x128xi32, #tpu.memory_space<vmem>> -> memref<1x128xi32, #tpu.memory_space<vmem>>
    %dma_start3A_192 = tpu.memref_squeeze %dma_start3A_191 : memref<1x128xi32, #tpu.memory_space<vmem>> -> memref<128xi32, #tpu.memory_space<vmem>>
    %dma_start3A_193 = arith.constant 0 : i32
    %dma_start3A_194 = arith.constant 0 : i32
    %dma_start3A_195 = tpu.memref_slice %arg7[%dma_start3A_193, %dma_start3A_194] : memref<2048x128xf32, #tpu.memory_space<vmem_shared>> -> memref<2048x128xf32, #tpu.memory_space<vmem_shared>>
    tpu.enqueue_indirect_dma source(%dma_start3A_195 : memref<2048x128xf32, #tpu.memory_space<vmem_shared>>) target(%dma_start3A_189 : memref<128x128xf32, #tpu.memory_space<vmem>>) offsets(%dma_start3A_192 : memref<128xi32, #tpu.memory_space<vmem>>) semaphore(%arg8 : memref<!tpu.dma_semaphore, #tpu.memory_space<semaphore_mem>>)
    %dma_wait3A_196 = arith.constant 1 : i32
    %dma_wait3A_197 = arith.constant 0 : i32
    %dma_wait3A_198 = arith.constant 0 : i32
    %dma_wait3A_199 = tpu.memref_slice %arg6[%dma_wait3A_196, %dma_wait3A_197, %dma_wait3A_198] : memref<4x128x128xf32, #tpu.memory_space<vmem>> -> memref<1x128x128xf32, #tpu.memory_space<vmem>>
    %dma_wait3A_200 = tpu.memref_squeeze %dma_wait3A_199 : memref<1x128x128xf32, #tpu.memory_space<vmem>> -> memref<128x128xf32, #tpu.memory_space<vmem>>
    %dma_wait3A_201 = arith.constant 128 : i32
    %dma_wait3A_202 = arith.constant 0 : i32
    %dma_wait3A_203 = tpu.memref_slice %arg4[%add3A, %dma_wait3A_201, %dma_wait3A_202] : memref<32x1024x128xf32, #tpu.memory_space<hbm>> -> memref<1x128x128xf32, #tpu.memory_space<hbm>>
    %dma_wait3A_204 = tpu.memref_squeeze %dma_wait3A_203 : memref<1x128x128xf32, #tpu.memory_space<hbm>> -> memref<128x128xf32, #tpu.memory_space<hbm>>
    %dma_wait3A_205 = arith.constant 128 : i32
    %dma_wait3A_206 = arith.constant 0 : i32
    %dma_wait3A_207 = tpu.memref_slice %arg4[%add3A, %dma_wait3A_205, %dma_wait3A_206] : memref<32x1024x128xf32, #tpu.memory_space<hbm>> -> memref<1x128x128xf32, #tpu.memory_space<hbm>>
    %dma_wait3A_208 = tpu.memref_squeeze %dma_wait3A_207 : memref<1x128x128xf32, #tpu.memory_space<hbm>> -> memref<128x128xf32, #tpu.memory_space<hbm>>
    %dma_wait3A_209 = arith.constant 0 : i32
    %dma_wait3A_210 = arith.constant 0 : i32
    %dma_wait3A_211 = tpu.memref_slice %arg6[%dma_wait3A_196, %dma_wait3A_209, %dma_wait3A_210] : memref<4x128x128xf32, #tpu.memory_space<vmem>> -> memref<1x128x128xf32, #tpu.memory_space<vmem>>
    %dma_wait3A_212 = tpu.memref_squeeze %dma_wait3A_211 : memref<1x128x128xf32, #tpu.memory_space<vmem>> -> memref<128x128xf32, #tpu.memory_space<vmem>>
    tpu.wait_dma2 semaphore(%arg9 : memref<!tpu.dma_semaphore, #tpu.memory_space<semaphore_mem>>) src(%dma_wait3A_212 : memref<128x128xf32, #tpu.memory_space<vmem>>) dst(%dma_wait3A_208 : memref<128x128xf32, #tpu.memory_space<hbm>>)
    %dma_start3A_213 = arith.constant 5 : i32
    %dma_start3A_214 = arith.constant 1 : i32
    %dma_start3A_215 = arith.constant 0 : i32
    %dma_start3A_216 = arith.constant 0 : i32
    %dma_start3A_217 = tpu.memref_slice %arg6[%dma_start3A_214, %dma_start3A_215, %dma_start3A_216] : memref<4x128x128xf32, #tpu.memory_space<vmem>> -> memref<1x128x128xf32, #tpu.memory_space<vmem>>
    %dma_start3A_218 = tpu.memref_squeeze %dma_start3A_217 : memref<1x128x128xf32, #tpu.memory_space<vmem>> -> memref<128x128xf32, #tpu.memory_space<vmem>>
    %dma_start3A_219 = arith.constant 0 : i32
    %dma_start3A_220 = tpu.memref_slice %arg5[%dma_start3A_213, %dma_start3A_219] : memref<8x128xi32, #tpu.memory_space<vmem>> -> memref<1x128xi32, #tpu.memory_space<vmem>>
    %dma_start3A_221 = tpu.memref_squeeze %dma_start3A_220 : memref<1x128xi32, #tpu.memory_space<vmem>> -> memref<128xi32, #tpu.memory_space<vmem>>
    %dma_start3A_222 = arith.constant 0 : i32
    %dma_start3A_223 = arith.constant 0 : i32
    %dma_start3A_224 = tpu.memref_slice %arg7[%dma_start3A_222, %dma_start3A_223] : memref<2048x128xf32, #tpu.memory_space<vmem_shared>> -> memref<2048x128xf32, #tpu.memory_space<vmem_shared>>
    tpu.enqueue_indirect_dma source(%dma_start3A_224 : memref<2048x128xf32, #tpu.memory_space<vmem_shared>>) target(%dma_start3A_218 : memref<128x128xf32, #tpu.memory_space<vmem>>) offsets(%dma_start3A_221 : memref<128xi32, #tpu.memory_space<vmem>>) semaphore(%arg8 : memref<!tpu.dma_semaphore, #tpu.memory_space<semaphore_mem>>)
    %dma_wait3A_225 = arith.constant 2 : i32
    %dma_wait3A_226 = arith.constant 0 : i32
    %dma_wait3A_227 = arith.constant 0 : i32
    %dma_wait3A_228 = tpu.memref_slice %arg6[%dma_wait3A_225, %dma_wait3A_226, %dma_wait3A_227] : memref<4x128x128xf32, #tpu.memory_space<vmem>> -> memref<1x128x128xf32, #tpu.memory_space<vmem>>
    %dma_wait3A_229 = tpu.memref_squeeze %dma_wait3A_228 : memref<1x128x128xf32, #tpu.memory_space<vmem>> -> memref<128x128xf32, #tpu.memory_space<vmem>>
    %dma_wait3A_230 = arith.constant 256 : i32
    %dma_wait3A_231 = arith.constant 0 : i32
    %dma_wait3A_232 = tpu.memref_slice %arg4[%add3A, %dma_wait3A_230, %dma_wait3A_231] : memref<32x1024x128xf32, #tpu.memory_space<hbm>> -> memref<1x128x128xf32, #tpu.memory_space<hbm>>
    %dma_wait3A_233 = tpu.memref_squeeze %dma_wait3A_232 : memref<1x128x128xf32, #tpu.memory_space<hbm>> -> memref<128x128xf32, #tpu.memory_space<hbm>>
    %dma_wait3A_234 = arith.constant 256 : i32
    %dma_wait3A_235 = arith.constant 0 : i32
    %dma_wait3A_236 = tpu.memref_slice %arg4[%add3A, %dma_wait3A_234, %dma_wait3A_235] : memref<32x1024x128xf32, #tpu.memory_space<hbm>> -> memref<1x128x128xf32, #tpu.memory_space<hbm>>
    %dma_wait3A_237 = tpu.memref_squeeze %dma_wait3A_236 : memref<1x128x128xf32, #tpu.memory_space<hbm>> -> memref<128x128xf32, #tpu.memory_space<hbm>>
    %dma_wait3A_238 = arith.constant 0 : i32
    %dma_wait3A_239 = arith.constant 0 : i32
    %dma_wait3A_240 = tpu.memref_slice %arg6[%dma_wait3A_225, %dma_wait3A_238, %dma_wait3A_239] : memref<4x128x128xf32, #tpu.memory_space<vmem>> -> memref<1x128x128xf32, #tpu.memory_space<vmem>>
    %dma_wait3A_241 = tpu.memref_squeeze %dma_wait3A_240 : memref<1x128x128xf32, #tpu.memory_space<vmem>> -> memref<128x128xf32, #tpu.memory_space<vmem>>
    tpu.wait_dma2 semaphore(%arg9 : memref<!tpu.dma_semaphore, #tpu.memory_space<semaphore_mem>>) src(%dma_wait3A_241 : memref<128x128xf32, #tpu.memory_space<vmem>>) dst(%dma_wait3A_237 : memref<128x128xf32, #tpu.memory_space<hbm>>)
    %dma_start3A_242 = arith.constant 6 : i32
    %dma_start3A_243 = arith.constant 2 : i32
    %dma_start3A_244 = arith.constant 0 : i32
    %dma_start3A_245 = arith.constant 0 : i32
    %dma_start3A_246 = tpu.memref_slice %arg6[%dma_start3A_243, %dma_start3A_244, %dma_start3A_245] : memref<4x128x128xf32, #tpu.memory_space<vmem>> -> memref<1x128x128xf32, #tpu.memory_space<vmem>>
    %dma_start3A_247 = tpu.memref_squeeze %dma_start3A_246 : memref<1x128x128xf32, #tpu.memory_space<vmem>> -> memref<128x128xf32, #tpu.memory_space<vmem>>
    %dma_start3A_248 = arith.constant 0 : i32
    %dma_start3A_249 = tpu.memref_slice %arg5[%dma_start3A_242, %dma_start3A_248] : memref<8x128xi32, #tpu.memory_space<vmem>> -> memref<1x128xi32, #tpu.memory_space<vmem>>
    %dma_start3A_250 = tpu.memref_squeeze %dma_start3A_249 : memref<1x128xi32, #tpu.memory_space<vmem>> -> memref<128xi32, #tpu.memory_space<vmem>>
    %dma_start3A_251 = arith.constant 0 : i32
    %dma_start3A_252 = arith.constant 0 : i32
    %dma_start3A_253 = tpu.memref_slice %arg7[%dma_start3A_251, %dma_start3A_252] : memref<2048x128xf32, #tpu.memory_space<vmem_shared>> -> memref<2048x128xf32, #tpu.memory_space<vmem_shared>>
    tpu.enqueue_indirect_dma source(%dma_start3A_253 : memref<2048x128xf32, #tpu.memory_space<vmem_shared>>) target(%dma_start3A_247 : memref<128x128xf32, #tpu.memory_space<vmem>>) offsets(%dma_start3A_250 : memref<128xi32, #tpu.memory_space<vmem>>) semaphore(%arg8 : memref<!tpu.dma_semaphore, #tpu.memory_space<semaphore_mem>>)
    %dma_wait3A_254 = arith.constant 3 : i32
    %dma_wait3A_255 = arith.constant 0 : i32
    %dma_wait3A_256 = arith.constant 0 : i32
    %dma_wait3A_257 = tpu.memref_slice %arg6[%dma_wait3A_254, %dma_wait3A_255, %dma_wait3A_256] : memref<4x128x128xf32, #tpu.memory_space<vmem>> -> memref<1x128x128xf32, #tpu.memory_space<vmem>>
    %dma_wait3A_258 = tpu.memref_squeeze %dma_wait3A_257 : memref<1x128x128xf32, #tpu.memory_space<vmem>> -> memref<128x128xf32, #tpu.memory_space<vmem>>
    %dma_wait3A_259 = arith.constant 384 : i32
    %dma_wait3A_260 = arith.constant 0 : i32
    %dma_wait3A_261 = tpu.memref_slice %arg4[%add3A, %dma_wait3A_259, %dma_wait3A_260] : memref<32x1024x128xf32, #tpu.memory_space<hbm>> -> memref<1x128x128xf32, #tpu.memory_space<hbm>>
    %dma_wait3A_262 = tpu.memref_squeeze %dma_wait3A_261 : memref<1x128x128xf32, #tpu.memory_space<hbm>> -> memref<128x128xf32, #tpu.memory_space<hbm>>
    %dma_wait3A_263 = arith.constant 384 : i32
    %dma_wait3A_264 = arith.constant 0 : i32
    %dma_wait3A_265 = tpu.memref_slice %arg4[%add3A, %dma_wait3A_263, %dma_wait3A_264] : memref<32x1024x128xf32, #tpu.memory_space<hbm>> -> memref<1x128x128xf32, #tpu.memory_space<hbm>>
    %dma_wait3A_266 = tpu.memref_squeeze %dma_wait3A_265 : memref<1x128x128xf32, #tpu.memory_space<hbm>> -> memref<128x128xf32, #tpu.memory_space<hbm>>
    %dma_wait3A_267 = arith.constant 0 : i32
    %dma_wait3A_268 = arith.constant 0 : i32
    %dma_wait3A_269 = tpu.memref_slice %arg6[%dma_wait3A_254, %dma_wait3A_267, %dma_wait3A_268] : memref<4x128x128xf32, #tpu.memory_space<vmem>> -> memref<1x128x128xf32, #tpu.memory_space<vmem>>
    %dma_wait3A_270 = tpu.memref_squeeze %dma_wait3A_269 : memref<1x128x128xf32, #tpu.memory_space<vmem>> -> memref<128x128xf32, #tpu.memory_space<vmem>>
    tpu.wait_dma2 semaphore(%arg9 : memref<!tpu.dma_semaphore, #tpu.memory_space<semaphore_mem>>) src(%dma_wait3A_270 : memref<128x128xf32, #tpu.memory_space<vmem>>) dst(%dma_wait3A_266 : memref<128x128xf32, #tpu.memory_space<hbm>>)
    %dma_start3A_271 = arith.constant 7 : i32
    %dma_start3A_272 = arith.constant 3 : i32
    %dma_start3A_273 = arith.constant 0 : i32
    %dma_start3A_274 = arith.constant 0 : i32
    %dma_start3A_275 = tpu.memref_slice %arg6[%dma_start3A_272, %dma_start3A_273, %dma_start3A_274] : memref<4x128x128xf32, #tpu.memory_space<vmem>> -> memref<1x128x128xf32, #tpu.memory_space<vmem>>
    %dma_start3A_276 = tpu.memref_squeeze %dma_start3A_275 : memref<1x128x128xf32, #tpu.memory_space<vmem>> -> memref<128x128xf32, #tpu.memory_space<vmem>>
    %dma_start3A_277 = arith.constant 0 : i32
    %dma_start3A_278 = tpu.memref_slice %arg5[%dma_start3A_271, %dma_start3A_277] : memref<8x128xi32, #tpu.memory_space<vmem>> -> memref<1x128xi32, #tpu.memory_space<vmem>>
    %dma_start3A_279 = tpu.memref_squeeze %dma_start3A_278 : memref<1x128xi32, #tpu.memory_space<vmem>> -> memref<128xi32, #tpu.memory_space<vmem>>
    %dma_start3A_280 = arith.constant 0 : i32
    %dma_start3A_281 = arith.constant 0 : i32
    %dma_start3A_282 = tpu.memref_slice %arg7[%dma_start3A_280, %dma_start3A_281] : memref<2048x128xf32, #tpu.memory_space<vmem_shared>> -> memref<2048x128xf32, #tpu.memory_space<vmem_shared>>
    tpu.enqueue_indirect_dma source(%dma_start3A_282 : memref<2048x128xf32, #tpu.memory_space<vmem_shared>>) target(%dma_start3A_276 : memref<128x128xf32, #tpu.memory_space<vmem>>) offsets(%dma_start3A_279 : memref<128xi32, #tpu.memory_space<vmem>>) semaphore(%arg8 : memref<!tpu.dma_semaphore, #tpu.memory_space<semaphore_mem>>)
    %dma_wait3A_283 = arith.constant 4 : i32
    %dma_wait3A_284 = arith.constant 0 : i32
    %dma_wait3A_285 = arith.constant 0 : i32
    %dma_wait3A_286 = arith.constant 0 : i32
    %dma_wait3A_287 = tpu.memref_slice %arg6[%dma_wait3A_284, %dma_wait3A_285, %dma_wait3A_286] : memref<4x128x128xf32, #tpu.memory_space<vmem>> -> memref<1x128x128xf32, #tpu.memory_space<vmem>>
    %dma_wait3A_288 = tpu.memref_squeeze %dma_wait3A_287 : memref<1x128x128xf32, #tpu.memory_space<vmem>> -> memref<128x128xf32, #tpu.memory_space<vmem>>
    %dma_wait3A_289 = arith.constant 0 : i32
    %dma_wait3A_290 = tpu.memref_slice %arg5[%dma_wait3A_283, %dma_wait3A_289] : memref<8x128xi32, #tpu.memory_space<vmem>> -> memref<1x128xi32, #tpu.memory_space<vmem>>
    %dma_wait3A_291 = tpu.memref_squeeze %dma_wait3A_290 : memref<1x128xi32, #tpu.memory_space<vmem>> -> memref<128xi32, #tpu.memory_space<vmem>>
    %dma_wait3A_292 = arith.constant 0 : i32
    %dma_wait3A_293 = arith.constant 0 : i32
    %dma_wait3A_294 = tpu.memref_slice %arg7[%dma_wait3A_292, %dma_wait3A_293] : memref<2048x128xf32, #tpu.memory_space<vmem_shared>> -> memref<2048x128xf32, #tpu.memory_space<vmem_shared>>
    tpu.wait_indirect_dma semaphore(%arg8 : memref<!tpu.dma_semaphore, #tpu.memory_space<semaphore_mem>>) src(%dma_wait3A_294 : memref<2048x128xf32, #tpu.memory_space<vmem_shared>>) dst(%dma_wait3A_288 : memref<128x128xf32, #tpu.memory_space<vmem>>)
    %dma_start3A_295 = arith.constant 0 : i32
    %dma_start3A_296 = arith.constant 0 : i32
    %dma_start3A_297 = arith.constant 0 : i32
    %dma_start3A_298 = tpu.memref_slice %arg6[%dma_start3A_295, %dma_start3A_296, %dma_start3A_297] : memref<4x128x128xf32, #tpu.memory_space<vmem>> -> memref<1x128x128xf32, #tpu.memory_space<vmem>>
    %dma_start3A_299 = tpu.memref_squeeze %dma_start3A_298 : memref<1x128x128xf32, #tpu.memory_space<vmem>> -> memref<128x128xf32, #tpu.memory_space<vmem>>
    %dma_start3A_300 = arith.constant 512 : i32
    %dma_start3A_301 = arith.constant 0 : i32
    %dma_start3A_302 = tpu.memref_slice %arg4[%add3A, %dma_start3A_300, %dma_start3A_301] : memref<32x1024x128xf32, #tpu.memory_space<hbm>> -> memref<1x128x128xf32, #tpu.memory_space<hbm>>
    %dma_start3A_303 = tpu.memref_squeeze %dma_start3A_302 : memref<1x128x128xf32, #tpu.memory_space<hbm>> -> memref<128x128xf32, #tpu.memory_space<hbm>>
    %dma_start3A_304 = arith.constant 512 : i32
    %dma_start3A_305 = arith.constant 0 : i32
    %dma_start3A_306 = tpu.memref_slice %arg4[%add3A, %dma_start3A_304, %dma_start3A_305] : memref<32x1024x128xf32, #tpu.memory_space<hbm>> -> memref<1x128x128xf32, #tpu.memory_space<hbm>>
    %dma_start3A_307 = tpu.memref_squeeze %dma_start3A_306 : memref<1x128x128xf32, #tpu.memory_space<hbm>> -> memref<128x128xf32, #tpu.memory_space<hbm>>
    %dma_start3A_308 = arith.constant 0 : i32
    %dma_start3A_309 = arith.constant 0 : i32
    %dma_start3A_310 = tpu.memref_slice %arg6[%dma_start3A_295, %dma_start3A_308, %dma_start3A_309] : memref<4x128x128xf32, #tpu.memory_space<vmem>> -> memref<1x128x128xf32, #tpu.memory_space<vmem>>
    %dma_start3A_311 = tpu.memref_squeeze %dma_start3A_310 : memref<1x128x128xf32, #tpu.memory_space<vmem>> -> memref<128x128xf32, #tpu.memory_space<vmem>>
    tpu.enqueue_dma source(%dma_start3A_311 : memref<128x128xf32, #tpu.memory_space<vmem>>) target(%dma_start3A_307 : memref<128x128xf32, #tpu.memory_space<hbm>>) target_semaphore(%arg9 : memref<!tpu.dma_semaphore, #tpu.memory_space<semaphore_mem>>)
    %dma_wait3A_312 = arith.constant 5 : i32
    %dma_wait3A_313 = arith.constant 1 : i32
    %dma_wait3A_314 = arith.constant 0 : i32
    %dma_wait3A_315 = arith.constant 0 : i32
    %dma_wait3A_316 = tpu.memref_slice %arg6[%dma_wait3A_313, %dma_wait3A_314, %dma_wait3A_315] : memref<4x128x128xf32, #tpu.memory_space<vmem>> -> memref<1x128x128xf32, #tpu.memory_space<vmem>>
    %dma_wait3A_317 = tpu.memref_squeeze %dma_wait3A_316 : memref<1x128x128xf32, #tpu.memory_space<vmem>> -> memref<128x128xf32, #tpu.memory_space<vmem>>
    %dma_wait3A_318 = arith.constant 0 : i32
    %dma_wait3A_319 = tpu.memref_slice %arg5[%dma_wait3A_312, %dma_wait3A_318] : memref<8x128xi32, #tpu.memory_space<vmem>> -> memref<1x128xi32, #tpu.memory_space<vmem>>
    %dma_wait3A_320 = tpu.memref_squeeze %dma_wait3A_319 : memref<1x128xi32, #tpu.memory_space<vmem>> -> memref<128xi32, #tpu.memory_space<vmem>>
    %dma_wait3A_321 = arith.constant 0 : i32
    %dma_wait3A_322 = arith.constant 0 : i32
    %dma_wait3A_323 = tpu.memref_slice %arg7[%dma_wait3A_321, %dma_wait3A_322] : memref<2048x128xf32, #tpu.memory_space<vmem_shared>> -> memref<2048x128xf32, #tpu.memory_space<vmem_shared>>
    tpu.wait_indirect_dma semaphore(%arg8 : memref<!tpu.dma_semaphore, #tpu.memory_space<semaphore_mem>>) src(%dma_wait3A_323 : memref<2048x128xf32, #tpu.memory_space<vmem_shared>>) dst(%dma_wait3A_317 : memref<128x128xf32, #tpu.memory_space<vmem>>)
    %dma_start3A_324 = arith.constant 1 : i32
    %dma_start3A_325 = arith.constant 0 : i32
    %dma_start3A_326 = arith.constant 0 : i32
    %dma_start3A_327 = tpu.memref_slice %arg6[%dma_start3A_324, %dma_start3A_325, %dma_start3A_326] : memref<4x128x128xf32, #tpu.memory_space<vmem>> -> memref<1x128x128xf32, #tpu.memory_space<vmem>>
    %dma_start3A_328 = tpu.memref_squeeze %dma_start3A_327 : memref<1x128x128xf32, #tpu.memory_space<vmem>> -> memref<128x128xf32, #tpu.memory_space<vmem>>
    %dma_start3A_329 = arith.constant 640 : i32
    %dma_start3A_330 = arith.constant 0 : i32
    %dma_start3A_331 = tpu.memref_slice %arg4[%add3A, %dma_start3A_329, %dma_start3A_330] : memref<32x1024x128xf32, #tpu.memory_space<hbm>> -> memref<1x128x128xf32, #tpu.memory_space<hbm>>
    %dma_start3A_332 = tpu.memref_squeeze %dma_start3A_331 : memref<1x128x128xf32, #tpu.memory_space<hbm>> -> memref<128x128xf32, #tpu.memory_space<hbm>>
    %dma_start3A_333 = arith.constant 640 : i32
    %dma_start3A_334 = arith.constant 0 : i32
    %dma_start3A_335 = tpu.memref_slice %arg4[%add3A, %dma_start3A_333, %dma_start3A_334] : memref<32x1024x128xf32, #tpu.memory_space<hbm>> -> memref<1x128x128xf32, #tpu.memory_space<hbm>>
    %dma_start3A_336 = tpu.memref_squeeze %dma_start3A_335 : memref<1x128x128xf32, #tpu.memory_space<hbm>> -> memref<128x128xf32, #tpu.memory_space<hbm>>
    %dma_start3A_337 = arith.constant 0 : i32
    %dma_start3A_338 = arith.constant 0 : i32
    %dma_start3A_339 = tpu.memref_slice %arg6[%dma_start3A_324, %dma_start3A_337, %dma_start3A_338] : memref<4x128x128xf32, #tpu.memory_space<vmem>> -> memref<1x128x128xf32, #tpu.memory_space<vmem>>
    %dma_start3A_340 = tpu.memref_squeeze %dma_start3A_339 : memref<1x128x128xf32, #tpu.memory_space<vmem>> -> memref<128x128xf32, #tpu.memory_space<vmem>>
    tpu.enqueue_dma source(%dma_start3A_340 : memref<128x128xf32, #tpu.memory_space<vmem>>) target(%dma_start3A_336 : memref<128x128xf32, #tpu.memory_space<hbm>>) target_semaphore(%arg9 : memref<!tpu.dma_semaphore, #tpu.memory_space<semaphore_mem>>)
    %dma_wait3A_341 = arith.constant 6 : i32
    %dma_wait3A_342 = arith.constant 2 : i32
    %dma_wait3A_343 = arith.constant 0 : i32
    %dma_wait3A_344 = arith.constant 0 : i32
    %dma_wait3A_345 = tpu.memref_slice %arg6[%dma_wait3A_342, %dma_wait3A_343, %dma_wait3A_344] : memref<4x128x128xf32, #tpu.memory_space<vmem>> -> memref<1x128x128xf32, #tpu.memory_space<vmem>>
    %dma_wait3A_346 = tpu.memref_squeeze %dma_wait3A_345 : memref<1x128x128xf32, #tpu.memory_space<vmem>> -> memref<128x128xf32, #tpu.memory_space<vmem>>
    %dma_wait3A_347 = arith.constant 0 : i32
    %dma_wait3A_348 = tpu.memref_slice %arg5[%dma_wait3A_341, %dma_wait3A_347] : memref<8x128xi32, #tpu.memory_space<vmem>> -> memref<1x128xi32, #tpu.memory_space<vmem>>
    %dma_wait3A_349 = tpu.memref_squeeze %dma_wait3A_348 : memref<1x128xi32, #tpu.memory_space<vmem>> -> memref<128xi32, #tpu.memory_space<vmem>>
    %dma_wait3A_350 = arith.constant 0 : i32
    %dma_wait3A_351 = arith.constant 0 : i32
    %dma_wait3A_352 = tpu.memref_slice %arg7[%dma_wait3A_350, %dma_wait3A_351] : memref<2048x128xf32, #tpu.memory_space<vmem_shared>> -> memref<2048x128xf32, #tpu.memory_space<vmem_shared>>
    tpu.wait_indirect_dma semaphore(%arg8 : memref<!tpu.dma_semaphore, #tpu.memory_space<semaphore_mem>>) src(%dma_wait3A_352 : memref<2048x128xf32, #tpu.memory_space<vmem_shared>>) dst(%dma_wait3A_346 : memref<128x128xf32, #tpu.memory_space<vmem>>)
    %dma_start3A_353 = arith.constant 2 : i32
    %dma_start3A_354 = arith.constant 0 : i32
    %dma_start3A_355 = arith.constant 0 : i32
    %dma_start3A_356 = tpu.memref_slice %arg6[%dma_start3A_353, %dma_start3A_354, %dma_start3A_355] : memref<4x128x128xf32, #tpu.memory_space<vmem>> -> memref<1x128x128xf32, #tpu.memory_space<vmem>>
    %dma_start3A_357 = tpu.memref_squeeze %dma_start3A_356 : memref<1x128x128xf32, #tpu.memory_space<vmem>> -> memref<128x128xf32, #tpu.memory_space<vmem>>
    %dma_start3A_358 = arith.constant 768 : i32
    %dma_start3A_359 = arith.constant 0 : i32
    %dma_start3A_360 = tpu.memref_slice %arg4[%add3A, %dma_start3A_358, %dma_start3A_359] : memref<32x1024x128xf32, #tpu.memory_space<hbm>> -> memref<1x128x128xf32, #tpu.memory_space<hbm>>
    %dma_start3A_361 = tpu.memref_squeeze %dma_start3A_360 : memref<1x128x128xf32, #tpu.memory_space<hbm>> -> memref<128x128xf32, #tpu.memory_space<hbm>>
    %dma_start3A_362 = arith.constant 768 : i32
    %dma_start3A_363 = arith.constant 0 : i32
    %dma_start3A_364 = tpu.memref_slice %arg4[%add3A, %dma_start3A_362, %dma_start3A_363] : memref<32x1024x128xf32, #tpu.memory_space<hbm>> -> memref<1x128x128xf32, #tpu.memory_space<hbm>>
    %dma_start3A_365 = tpu.memref_squeeze %dma_start3A_364 : memref<1x128x128xf32, #tpu.memory_space<hbm>> -> memref<128x128xf32, #tpu.memory_space<hbm>>
    %dma_start3A_366 = arith.constant 0 : i32
    %dma_start3A_367 = arith.constant 0 : i32
    %dma_start3A_368 = tpu.memref_slice %arg6[%dma_start3A_353, %dma_start3A_366, %dma_start3A_367] : memref<4x128x128xf32, #tpu.memory_space<vmem>> -> memref<1x128x128xf32, #tpu.memory_space<vmem>>
    %dma_start3A_369 = tpu.memref_squeeze %dma_start3A_368 : memref<1x128x128xf32, #tpu.memory_space<vmem>> -> memref<128x128xf32, #tpu.memory_space<vmem>>
    tpu.enqueue_dma source(%dma_start3A_369 : memref<128x128xf32, #tpu.memory_space<vmem>>) target(%dma_start3A_365 : memref<128x128xf32, #tpu.memory_space<hbm>>) target_semaphore(%arg9 : memref<!tpu.dma_semaphore, #tpu.memory_space<semaphore_mem>>)
    %dma_wait3A_370 = arith.constant 7 : i32
    %dma_wait3A_371 = arith.constant 3 : i32
    %dma_wait3A_372 = arith.constant 0 : i32
    %dma_wait3A_373 = arith.constant 0 : i32
    %dma_wait3A_374 = tpu.memref_slice %arg6[%dma_wait3A_371, %dma_wait3A_372, %dma_wait3A_373] : memref<4x128x128xf32, #tpu.memory_space<vmem>> -> memref<1x128x128xf32, #tpu.memory_space<vmem>>
    %dma_wait3A_375 = tpu.memref_squeeze %dma_wait3A_374 : memref<1x128x128xf32, #tpu.memory_space<vmem>> -> memref<128x128xf32, #tpu.memory_space<vmem>>
    %dma_wait3A_376 = arith.constant 0 : i32
    %dma_wait3A_377 = tpu.memref_slice %arg5[%dma_wait3A_370, %dma_wait3A_376] : memref<8x128xi32, #tpu.memory_space<vmem>> -> memref<1x128xi32, #tpu.memory_space<vmem>>
    %dma_wait3A_378 = tpu.memref_squeeze %dma_wait3A_377 : memref<1x128xi32, #tpu.memory_space<vmem>> -> memref<128xi32, #tpu.memory_space<vmem>>
    %dma_wait3A_379 = arith.constant 0 : i32
    %dma_wait3A_380 = arith.constant 0 : i32
    %dma_wait3A_381 = tpu.memref_slice %arg7[%dma_wait3A_379, %dma_wait3A_380] : memref<2048x128xf32, #tpu.memory_space<vmem_shared>> -> memref<2048x128xf32, #tpu.memory_space<vmem_shared>>
    tpu.wait_indirect_dma semaphore(%arg8 : memref<!tpu.dma_semaphore, #tpu.memory_space<semaphore_mem>>) src(%dma_wait3A_381 : memref<2048x128xf32, #tpu.memory_space<vmem_shared>>) dst(%dma_wait3A_375 : memref<128x128xf32, #tpu.memory_space<vmem>>)
    %dma_start3A_382 = arith.constant 3 : i32
    %dma_start3A_383 = arith.constant 0 : i32
    %dma_start3A_384 = arith.constant 0 : i32
    %dma_start3A_385 = tpu.memref_slice %arg6[%dma_start3A_382, %dma_start3A_383, %dma_start3A_384] : memref<4x128x128xf32, #tpu.memory_space<vmem>> -> memref<1x128x128xf32, #tpu.memory_space<vmem>>
    %dma_start3A_386 = tpu.memref_squeeze %dma_start3A_385 : memref<1x128x128xf32, #tpu.memory_space<vmem>> -> memref<128x128xf32, #tpu.memory_space<vmem>>
    %dma_start3A_387 = arith.constant 896 : i32
    %dma_start3A_388 = arith.constant 0 : i32
    %dma_start3A_389 = tpu.memref_slice %arg4[%add3A, %dma_start3A_387, %dma_start3A_388] : memref<32x1024x128xf32, #tpu.memory_space<hbm>> -> memref<1x128x128xf32, #tpu.memory_space<hbm>>
    %dma_start3A_390 = tpu.memref_squeeze %dma_start3A_389 : memref<1x128x128xf32, #tpu.memory_space<hbm>> -> memref<128x128xf32, #tpu.memory_space<hbm>>
    %dma_start3A_391 = arith.constant 896 : i32
    %dma_start3A_392 = arith.constant 0 : i32
    %dma_start3A_393 = tpu.memref_slice %arg4[%add3A, %dma_start3A_391, %dma_start3A_392] : memref<32x1024x128xf32, #tpu.memory_space<hbm>> -> memref<1x128x128xf32, #tpu.memory_space<hbm>>
    %dma_start3A_394 = tpu.memref_squeeze %dma_start3A_393 : memref<1x128x128xf32, #tpu.memory_space<hbm>> -> memref<128x128xf32, #tpu.memory_space<hbm>>
    %dma_start3A_395 = arith.constant 0 : i32
    %dma_start3A_396 = arith.constant 0 : i32
    %dma_start3A_397 = tpu.memref_slice %arg6[%dma_start3A_382, %dma_start3A_395, %dma_start3A_396] : memref<4x128x128xf32, #tpu.memory_space<vmem>> -> memref<1x128x128xf32, #tpu.memory_space<vmem>>
    %dma_start3A_398 = tpu.memref_squeeze %dma_start3A_397 : memref<1x128x128xf32, #tpu.memory_space<vmem>> -> memref<128x128xf32, #tpu.memory_space<vmem>>
    tpu.enqueue_dma source(%dma_start3A_398 : memref<128x128xf32, #tpu.memory_space<vmem>>) target(%dma_start3A_394 : memref<128x128xf32, #tpu.memory_space<hbm>>) target_semaphore(%arg9 : memref<!tpu.dma_semaphore, #tpu.memory_space<semaphore_mem>>)
    %dma_wait3A_399 = arith.constant 0 : i32
    %dma_wait3A_400 = arith.constant 0 : i32
    %dma_wait3A_401 = arith.constant 0 : i32
    %dma_wait3A_402 = tpu.memref_slice %arg6[%dma_wait3A_399, %dma_wait3A_400, %dma_wait3A_401] : memref<4x128x128xf32, #tpu.memory_space<vmem>> -> memref<1x128x128xf32, #tpu.memory_space<vmem>>
    %dma_wait3A_403 = tpu.memref_squeeze %dma_wait3A_402 : memref<1x128x128xf32, #tpu.memory_space<vmem>> -> memref<128x128xf32, #tpu.memory_space<vmem>>
    %dma_wait3A_404 = arith.constant 512 : i32
    %dma_wait3A_405 = arith.constant 0 : i32
    %dma_wait3A_406 = tpu.memref_slice %arg4[%add3A, %dma_wait3A_404, %dma_wait3A_405] : memref<32x1024x128xf32, #tpu.memory_space<hbm>> -> memref<1x128x128xf32, #tpu.memory_space<hbm>>
    %dma_wait3A_407 = tpu.memref_squeeze %dma_wait3A_406 : memref<1x128x128xf32, #tpu.memory_space<hbm>> -> memref<128x128xf32, #tpu.memory_space<hbm>>
    %dma_wait3A_408 = arith.constant 512 : i32
    %dma_wait3A_409 = arith.constant 0 : i32
    %dma_wait3A_410 = tpu.memref_slice %arg4[%add3A, %dma_wait3A_408, %dma_wait3A_409] : memref<32x1024x128xf32, #tpu.memory_space<hbm>> -> memref<1x128x128xf32, #tpu.memory_space<hbm>>
    %dma_wait3A_411 = tpu.memref_squeeze %dma_wait3A_410 : memref<1x128x128xf32, #tpu.memory_space<hbm>> -> memref<128x128xf32, #tpu.memory_space<hbm>>
    %dma_wait3A_412 = arith.constant 0 : i32
    %dma_wait3A_413 = arith.constant 0 : i32
    %dma_wait3A_414 = tpu.memref_slice %arg6[%dma_wait3A_399, %dma_wait3A_412, %dma_wait3A_413] : memref<4x128x128xf32, #tpu.memory_space<vmem>> -> memref<1x128x128xf32, #tpu.memory_space<vmem>>
    %dma_wait3A_415 = tpu.memref_squeeze %dma_wait3A_414 : memref<1x128x128xf32, #tpu.memory_space<vmem>> -> memref<128x128xf32, #tpu.memory_space<vmem>>
    tpu.wait_dma2 semaphore(%arg9 : memref<!tpu.dma_semaphore, #tpu.memory_space<semaphore_mem>>) src(%dma_wait3A_415 : memref<128x128xf32, #tpu.memory_space<vmem>>) dst(%dma_wait3A_411 : memref<128x128xf32, #tpu.memory_space<hbm>>)
    %dma_wait3A_416 = arith.constant 1 : i32
    %dma_wait3A_417 = arith.constant 0 : i32
    %dma_wait3A_418 = arith.constant 0 : i32
    %dma_wait3A_419 = tpu.memref_slice %arg6[%dma_wait3A_416, %dma_wait3A_417, %dma_wait3A_418] : memref<4x128x128xf32, #tpu.memory_space<vmem>> -> memref<1x128x128xf32, #tpu.memory_space<vmem>>
    %dma_wait3A_420 = tpu.memref_squeeze %dma_wait3A_419 : memref<1x128x128xf32, #tpu.memory_space<vmem>> -> memref<128x128xf32, #tpu.memory_space<vmem>>
    %dma_wait3A_421 = arith.constant 640 : i32
    %dma_wait3A_422 = arith.constant 0 : i32
    %dma_wait3A_423 = tpu.memref_slice %arg4[%add3A, %dma_wait3A_421, %dma_wait3A_422] : memref<32x1024x128xf32, #tpu.memory_space<hbm>> -> memref<1x128x128xf32, #tpu.memory_space<hbm>>
    %dma_wait3A_424 = tpu.memref_squeeze %dma_wait3A_423 : memref<1x128x128xf32, #tpu.memory_space<hbm>> -> memref<128x128xf32, #tpu.memory_space<hbm>>
    %dma_wait3A_425 = arith.constant 640 : i32
    %dma_wait3A_426 = arith.constant 0 : i32
    %dma_wait3A_427 = tpu.memref_slice %arg4[%add3A, %dma_wait3A_425, %dma_wait3A_426] : memref<32x1024x128xf32, #tpu.memory_space<hbm>> -> memref<1x128x128xf32, #tpu.memory_space<hbm>>
    %dma_wait3A_428 = tpu.memref_squeeze %dma_wait3A_427 : memref<1x128x128xf32, #tpu.memory_space<hbm>> -> memref<128x128xf32, #tpu.memory_space<hbm>>
    %dma_wait3A_429 = arith.constant 0 : i32
    %dma_wait3A_430 = arith.constant 0 : i32
    %dma_wait3A_431 = tpu.memref_slice %arg6[%dma_wait3A_416, %dma_wait3A_429, %dma_wait3A_430] : memref<4x128x128xf32, #tpu.memory_space<vmem>> -> memref<1x128x128xf32, #tpu.memory_space<vmem>>
    %dma_wait3A_432 = tpu.memref_squeeze %dma_wait3A_431 : memref<1x128x128xf32, #tpu.memory_space<vmem>> -> memref<128x128xf32, #tpu.memory_space<vmem>>
    tpu.wait_dma2 semaphore(%arg9 : memref<!tpu.dma_semaphore, #tpu.memory_space<semaphore_mem>>) src(%dma_wait3A_432 : memref<128x128xf32, #tpu.memory_space<vmem>>) dst(%dma_wait3A_428 : memref<128x128xf32, #tpu.memory_space<hbm>>)
    %dma_wait3A_433 = arith.constant 2 : i32
    %dma_wait3A_434 = arith.constant 0 : i32
    %dma_wait3A_435 = arith.constant 0 : i32
    %dma_wait3A_436 = tpu.memref_slice %arg6[%dma_wait3A_433, %dma_wait3A_434, %dma_wait3A_435] : memref<4x128x128xf32, #tpu.memory_space<vmem>> -> memref<1x128x128xf32, #tpu.memory_space<vmem>>
    %dma_wait3A_437 = tpu.memref_squeeze %dma_wait3A_436 : memref<1x128x128xf32, #tpu.memory_space<vmem>> -> memref<128x128xf32, #tpu.memory_space<vmem>>
    %dma_wait3A_438 = arith.constant 768 : i32
    %dma_wait3A_439 = arith.constant 0 : i32
    %dma_wait3A_440 = tpu.memref_slice %arg4[%add3A, %dma_wait3A_438, %dma_wait3A_439] : memref<32x1024x128xf32, #tpu.memory_space<hbm>> -> memref<1x128x128xf32, #tpu.memory_space<hbm>>
    %dma_wait3A_441 = tpu.memref_squeeze %dma_wait3A_440 : memref<1x128x128xf32, #tpu.memory_space<hbm>> -> memref<128x128xf32, #tpu.memory_space<hbm>>
    %dma_wait3A_442 = arith.constant 768 : i32
    %dma_wait3A_443 = arith.constant 0 : i32
    %dma_wait3A_444 = tpu.memref_slice %arg4[%add3A, %dma_wait3A_442, %dma_wait3A_443] : memref<32x1024x128xf32, #tpu.memory_space<hbm>> -> memref<1x128x128xf32, #tpu.memory_space<hbm>>
    %dma_wait3A_445 = tpu.memref_squeeze %dma_wait3A_444 : memref<1x128x128xf32, #tpu.memory_space<hbm>> -> memref<128x128xf32, #tpu.memory_space<hbm>>
    %dma_wait3A_446 = arith.constant 0 : i32
    %dma_wait3A_447 = arith.constant 0 : i32
    %dma_wait3A_448 = tpu.memref_slice %arg6[%dma_wait3A_433, %dma_wait3A_446, %dma_wait3A_447] : memref<4x128x128xf32, #tpu.memory_space<vmem>> -> memref<1x128x128xf32, #tpu.memory_space<vmem>>
    %dma_wait3A_449 = tpu.memref_squeeze %dma_wait3A_448 : memref<1x128x128xf32, #tpu.memory_space<vmem>> -> memref<128x128xf32, #tpu.memory_space<vmem>>
    tpu.wait_dma2 semaphore(%arg9 : memref<!tpu.dma_semaphore, #tpu.memory_space<semaphore_mem>>) src(%dma_wait3A_449 : memref<128x128xf32, #tpu.memory_space<vmem>>) dst(%dma_wait3A_445 : memref<128x128xf32, #tpu.memory_space<hbm>>)
    %dma_wait3A_450 = arith.constant 3 : i32
    %dma_wait3A_451 = arith.constant 0 : i32
    %dma_wait3A_452 = arith.constant 0 : i32
    %dma_wait3A_453 = tpu.memref_slice %arg6[%dma_wait3A_450, %dma_wait3A_451, %dma_wait3A_452] : memref<4x128x128xf32, #tpu.memory_space<vmem>> -> memref<1x128x128xf32, #tpu.memory_space<vmem>>
    %dma_wait3A_454 = tpu.memref_squeeze %dma_wait3A_453 : memref<1x128x128xf32, #tpu.memory_space<vmem>> -> memref<128x128xf32, #tpu.memory_space<vmem>>
    %dma_wait3A_455 = arith.constant 896 : i32
    %dma_wait3A_456 = arith.constant 0 : i32
    %dma_wait3A_457 = tpu.memref_slice %arg4[%add3A, %dma_wait3A_455, %dma_wait3A_456] : memref<32x1024x128xf32, #tpu.memory_space<hbm>> -> memref<1x128x128xf32, #tpu.memory_space<hbm>>
    %dma_wait3A_458 = tpu.memref_squeeze %dma_wait3A_457 : memref<1x128x128xf32, #tpu.memory_space<hbm>> -> memref<128x128xf32, #tpu.memory_space<hbm>>
    %dma_wait3A_459 = arith.constant 896 : i32
    %dma_wait3A_460 = arith.constant 0 : i32
    %dma_wait3A_461 = tpu.memref_slice %arg4[%add3A, %dma_wait3A_459, %dma_wait3A_460] : memref<32x1024x128xf32, #tpu.memory_space<hbm>> -> memref<1x128x128xf32, #tpu.memory_space<hbm>>
    %dma_wait3A_462 = tpu.memref_squeeze %dma_wait3A_461 : memref<1x128x128xf32, #tpu.memory_space<hbm>> -> memref<128x128xf32, #tpu.memory_space<hbm>>
    %dma_wait3A_463 = arith.constant 0 : i32
    %dma_wait3A_464 = arith.constant 0 : i32
    %dma_wait3A_465 = tpu.memref_slice %arg6[%dma_wait3A_450, %dma_wait3A_463, %dma_wait3A_464] : memref<4x128x128xf32, #tpu.memory_space<vmem>> -> memref<1x128x128xf32, #tpu.memory_space<vmem>>
    %dma_wait3A_466 = tpu.memref_squeeze %dma_wait3A_465 : memref<1x128x128xf32, #tpu.memory_space<vmem>> -> memref<128x128xf32, #tpu.memory_space<vmem>>
    tpu.wait_dma2 semaphore(%arg9 : memref<!tpu.dma_semaphore, #tpu.memory_space<semaphore_mem>>) src(%dma_wait3A_466 : memref<128x128xf32, #tpu.memory_space<vmem>>) dst(%dma_wait3A_462 : memref<128x128xf32, #tpu.memory_space<hbm>>)
    return
  }
}

module attributes {stable_mosaic.version = 14 : i64} {
  func.func @_tr_body(%arg0: i32, %arg1: memref<4x1024x128xf32, #tpu.memory_space<vmem>>, %arg2: memref<4x128x1024xf32, #tpu.memory_space<vmem>>) attributes {dimension_semantics = [#tpu.dimension_semantics<parallel>], iteration_bounds = array<i64: 8>, scalar_prefetch = 0 : i64, scratch_operands = 0 : i64, tpu.core_type = #tpu.core_type<tc>, window_params = [{transform_indices = @transform_0, window_bounds = array<i64: 4, 1024, 128>}, {transform_indices = @transform_1, window_bounds = array<i64: 4, 128, 1024>}]} {
    %get3A = arith.constant 0 : index
    %get3A_0 = arith.constant 0 : index
    %get3A_1 = arith.constant 0 : index
    %get3A_2 = vector.load %arg1[%get3A, %get3A_0, %get3A_1] : memref<4x1024x128xf32, #tpu.memory_space<vmem>>, vector<1x1024x128xf32>
    %get3A_3 = vector.shape_cast %get3A_2 : vector<1x1024x128xf32> to vector<1024x128xf32>
    %transpose3A = tpu.transpose %get3A_3, [1, 0] : vector<1024x128xf32> -> vector<128x1024xf32>
    %swap3A = arith.constant 0 : index
    %swap3A_4 = arith.constant 0 : index
    %swap3A_5 = arith.constant 0 : index
    %swap3A_6 = vector.load %arg2[%swap3A, %swap3A_4, %swap3A_5] : memref<4x128x1024xf32, #tpu.memory_space<vmem>>, vector<1x128x1024xf32>
    %swap3A_7 = vector.shape_cast %swap3A_6 : vector<1x128x1024xf32> to vector<128x1024xf32>
    %swap3A_8 = vector.shape_cast %transpose3A : vector<128x1024xf32> to vector<1x128x1024xf32>
    tpu.vector_store %arg2[%swap3A, %swap3A_4, %swap3A_5], %swap3A_8 {strides = array<i32>} : memref<4x128x1024xf32, #tpu.memory_space<vmem>>, vector<1x128x1024xf32>,
    %get3A_9 = arith.constant 1 : index
    %get3A_10 = arith.constant 0 : index
    %get3A_11 = arith.constant 0 : index
    %get3A_12 = vector.load %arg1[%get3A_9, %get3A_10, %get3A_11] : memref<4x1024x128xf32, #tpu.memory_space<vmem>>, vector<1x1024x128xf32>
    %get3A_13 = vector.shape_cast %get3A_12 : vector<1x1024x128xf32> to vector<1024x128xf32>
    %transpose3A_14 = tpu.transpose %get3A_13, [1, 0] : vector<1024x128xf32> -> vector<128x1024xf32>
    %swap3A_15 = arith.constant 1 : index
    %swap3A_16 = arith.constant 0 : index
    %swap3A_17 = arith.constant 0 : index
    %swap3A_18 = vector.load %arg2[%swap3A_15, %swap3A_16, %swap3A_17] : memref<4x128x1024xf32, #tpu.memory_space<vmem>>, vector<1x128x1024xf32>
    %swap3A_19 = vector.shape_cast %swap3A_18 : vector<1x128x1024xf32> to vector<128x1024xf32>
    %swap3A_20 = vector.shape_cast %transpose3A_14 : vector<128x1024xf32> to vector<1x128x1024xf32>
    tpu.vector_store %arg2[%swap3A_15, %swap3A_16, %swap3A_17], %swap3A_20 {strides = array<i32>} : memref<4x128x1024xf32, #tpu.memory_space<vmem>>, vector<1x128x1024xf32>,
    %get3A_21 = arith.constant 2 : index
    %get3A_22 = arith.constant 0 : index
    %get3A_23 = arith.constant 0 : index
    %get3A_24 = vector.load %arg1[%get3A_21, %get3A_22, %get3A_23] : memref<4x1024x128xf32, #tpu.memory_space<vmem>>, vector<1x1024x128xf32>
    %get3A_25 = vector.shape_cast %get3A_24 : vector<1x1024x128xf32> to vector<1024x128xf32>
    %transpose3A_26 = tpu.transpose %get3A_25, [1, 0] : vector<1024x128xf32> -> vector<128x1024xf32>
    %swap3A_27 = arith.constant 2 : index
    %swap3A_28 = arith.constant 0 : index
    %swap3A_29 = arith.constant 0 : index
    %swap3A_30 = vector.load %arg2[%swap3A_27, %swap3A_28, %swap3A_29] : memref<4x128x1024xf32, #tpu.memory_space<vmem>>, vector<1x128x1024xf32>
    %swap3A_31 = vector.shape_cast %swap3A_30 : vector<1x128x1024xf32> to vector<128x1024xf32>
    %swap3A_32 = vector.shape_cast %transpose3A_26 : vector<128x1024xf32> to vector<1x128x1024xf32>
    tpu.vector_store %arg2[%swap3A_27, %swap3A_28, %swap3A_29], %swap3A_32 {strides = array<i32>} : memref<4x128x1024xf32, #tpu.memory_space<vmem>>, vector<1x128x1024xf32>,
    %get3A_33 = arith.constant 3 : index
    %get3A_34 = arith.constant 0 : index
    %get3A_35 = arith.constant 0 : index
    %get3A_36 = vector.load %arg1[%get3A_33, %get3A_34, %get3A_35] : memref<4x1024x128xf32, #tpu.memory_space<vmem>>, vector<1x1024x128xf32>
    %get3A_37 = vector.shape_cast %get3A_36 : vector<1x1024x128xf32> to vector<1024x128xf32>
    %transpose3A_38 = tpu.transpose %get3A_37, [1, 0] : vector<1024x128xf32> -> vector<128x1024xf32>
    %swap3A_39 = arith.constant 3 : index
    %swap3A_40 = arith.constant 0 : index
    %swap3A_41 = arith.constant 0 : index
    %swap3A_42 = vector.load %arg2[%swap3A_39, %swap3A_40, %swap3A_41] : memref<4x128x1024xf32, #tpu.memory_space<vmem>>, vector<1x128x1024xf32>
    %swap3A_43 = vector.shape_cast %swap3A_42 : vector<1x128x1024xf32> to vector<128x1024xf32>
    %swap3A_44 = vector.shape_cast %transpose3A_38 : vector<128x1024xf32> to vector<1x128x1024xf32>
    tpu.vector_store %arg2[%swap3A_39, %swap3A_40, %swap3A_41], %swap3A_44 {strides = array<i32>} : memref<4x128x1024xf32, #tpu.memory_space<vmem>>, vector<1x128x1024xf32>,
    return
  }
  func.func @transform_0(%arg0: i32) -> (i32, i32, i32) {
    %c0_i32 = arith.constant 0 : i32
    %c0_i32_0 = arith.constant 0 : i32
    %c0_i32_1 = arith.constant 0 : i32
    return %arg0, %c0_i32, %c0_i32_0 : i32, i32, i32
  }
  func.func @transform_1(%arg0: i32) -> (i32, i32, i32) {
    %c0_i32 = arith.constant 0 : i32
    %c0_i32_0 = arith.constant 0 : i32
    %c0_i32_1 = arith.constant 0 : i32
    return %arg0, %c0_i32, %c0_i32_0 : i32, i32, i32
  }
}

module attributes {stable_mosaic.version = 14 : i64} {
  func.func @_tc_body(%arg0: i32, %arg1: i32, %arg2: memref<1x1024x1024xf32, #tpu.memory_space<vmem>>, %arg3: memref<1x1024x1024xf32, #tpu.memory_space<vmem>>, %arg4: memref<1x1x1024xi32, #tpu.memory_space<vmem>>) attributes {dimension_semantics = [#tpu.dimension_semantics<arbitrary>, #tpu.dimension_semantics<arbitrary>], iteration_bounds = array<i64: 32, 1>, scalar_prefetch = 0 : i64, scratch_operands = 0 : i64, tpu.core_type = #tpu.core_type<tc>, window_params = [{transform_indices = @transform_0, window_bounds = array<i64: 1, 1024, 1024>}, {transform_indices = @transform_1, window_bounds = array<i64: 1, 1024, 1024>}, {transform_indices = @transform_2, window_bounds = array<i64: 1, 1, 1024>}]} {
    %get3A = arith.constant 0 : index
    %get3A_0 = arith.constant 0 : index
    %get3A_1 = arith.constant 0 : index
    %get3A_2 = vector.load %arg2[%get3A, %get3A_0, %get3A_1] : memref<1x1024x1024xf32, #tpu.memory_space<vmem>>, vector<1x1024x1024xf32>
    %get3A_3 = vector.shape_cast %get3A_2 : vector<1x1024x1024xf32> to vector<1024x1024xf32>
    %mul3A = arith.constant 1024 : i32
    %mul3A_4 = arith.muli %arg1, %mul3A : i32
    %iota3A = tpu.iota {dimensions = array<i32: 0>} : vector<1024x1024xi32>
    %iota3A_5 = tpu.iota {dimensions = array<i32: 1>} : vector<1024x1024xi32>
    %add3A = vector.broadcast %mul3A_4 : i32 to vector<1024x1024xi32>
    %add3A_6 = arith.addi %iota3A_5, %add3A : vector<1024x1024xi32>
    %eq3A = arith.cmpi eq, %iota3A, %add3A_6 : vector<1024x1024xi32>
    %convert_element_type3A = arith.extui %eq3A : vector<1024x1024xi1> to vector<1024x1024xi32>
    %convert_element_type3A_7 = arith.sitofp %convert_element_type3A : vector<1024x1024xi32> to vector<1024x1024xf32>
    %add3A_8 = arith.addf %get3A_3, %convert_element_type3A_7 : vector<1024x1024xf32>
    %swap3A = arith.constant 0 : index
    %swap3A_9 = arith.constant 0 : index
    %swap3A_10 = arith.constant 0 : index
    %swap3A_11 = vector.load %arg3[%swap3A, %swap3A_9, %swap3A_10] : memref<1x1024x1024xf32, #tpu.memory_space<vmem>>, vector<1x1024x1024xf32>
    %swap3A_12 = vector.shape_cast %swap3A_11 : vector<1x1024x1024xf32> to vector<1024x1024xf32>
    %swap3A_13 = vector.shape_cast %add3A_8 : vector<1024x1024xf32> to vector<1x1024x1024xf32>
    tpu.vector_store %arg3[%swap3A, %swap3A_9, %swap3A_10], %swap3A_13 {strides = array<i32>} : memref<1x1024x1024xf32, #tpu.memory_space<vmem>>, vector<1x1024x1024xf32>,
    %slice3A = vector.extract_strided_slice %get3A_3 {offsets = [0, 0], sizes = [8, 1024], strides = [1, 1]} : vector<1024x1024xf32> to vector<8x1024xf32>
    %slice3A_14 = vector.extract_strided_slice %get3A_3 {offsets = [8, 0], sizes = [8, 1024], strides = [1, 1]} : vector<1024x1024xf32> to vector<8x1024xf32>
    %add3A_15 = arith.addf %slice3A, %slice3A_14 : vector<8x1024xf32>
    %slice3A_16 = vector.extract_strided_slice %get3A_3 {offsets = [16, 0], sizes = [8, 1024], strides = [1, 1]} : vector<1024x1024xf32> to vector<8x1024xf32>
    %add3A_17 = arith.addf %add3A_15, %slice3A_16 : vector<8x1024xf32>
    %slice3A_18 = vector.extract_strided_slice %get3A_3 {offsets = [24, 0], sizes = [8, 1024], strides = [1, 1]} : vector<1024x1024xf32> to vector<8x1024xf32>
    %add3A_19 = arith.addf %add3A_17, %slice3A_18 : vector<8x1024xf32>
    %slice3A_20 = vector.extract_strided_slice %get3A_3 {offsets = [32, 0], sizes = [8, 1024], strides = [1, 1]} : vector<1024x1024xf32> to vector<8x1024xf32>
    %add3A_21 = arith.addf %add3A_19, %slice3A_20 : vector<8x1024xf32>
    %slice3A_22 = vector.extract_strided_slice %get3A_3 {offsets = [40, 0], sizes = [8, 1024], strides = [1, 1]} : vector<1024x1024xf32> to vector<8x1024xf32>
    %add3A_23 = arith.addf %add3A_21, %slice3A_22 : vector<8x1024xf32>
    %slice3A_24 = vector.extract_strided_slice %get3A_3 {offsets = [48, 0], sizes = [8, 1024], strides = [1, 1]} : vector<1024x1024xf32> to vector<8x1024xf32>
    %add3A_25 = arith.addf %add3A_23, %slice3A_24 : vector<8x1024xf32>
    %slice3A_26 = vector.extract_strided_slice %get3A_3 {offsets = [56, 0], sizes = [8, 1024], strides = [1, 1]} : vector<1024x1024xf32> to vector<8x1024xf32>
    %add3A_27 = arith.addf %add3A_25, %slice3A_26 : vector<8x1024xf32>
    %slice3A_28 = vector.extract_strided_slice %get3A_3 {offsets = [64, 0], sizes = [8, 1024], strides = [1, 1]} : vector<1024x1024xf32> to vector<8x1024xf32>
    %add3A_29 = arith.addf %add3A_27, %slice3A_28 : vector<8x1024xf32>
    %slice3A_30 = vector.extract_strided_slice %get3A_3 {offsets = [72, 0], sizes = [8, 1024], strides = [1, 1]} : vector<1024x1024xf32> to vector<8x1024xf32>
    %add3A_31 = arith.addf %add3A_29, %slice3A_30 : vector<8x1024xf32>
    %slice3A_32 = vector.extract_strided_slice %get3A_3 {offsets = [80, 0], sizes = [8, 1024], strides = [1, 1]} : vector<1024x1024xf32> to vector<8x1024xf32>
    %add3A_33 = arith.addf %add3A_31, %slice3A_32 : vector<8x1024xf32>
    %slice3A_34 = vector.extract_strided_slice %get3A_3 {offsets = [88, 0], sizes = [8, 1024], strides = [1, 1]} : vector<1024x1024xf32> to vector<8x1024xf32>
    %add3A_35 = arith.addf %add3A_33, %slice3A_34 : vector<8x1024xf32>
    %slice3A_36 = vector.extract_strided_slice %get3A_3 {offsets = [96, 0], sizes = [8, 1024], strides = [1, 1]} : vector<1024x1024xf32> to vector<8x1024xf32>
    %add3A_37 = arith.addf %add3A_35, %slice3A_36 : vector<8x1024xf32>
    %slice3A_38 = vector.extract_strided_slice %get3A_3 {offsets = [104, 0], sizes = [8, 1024], strides = [1, 1]} : vector<1024x1024xf32> to vector<8x1024xf32>
    %add3A_39 = arith.addf %add3A_37, %slice3A_38 : vector<8x1024xf32>
    %slice3A_40 = vector.extract_strided_slice %get3A_3 {offsets = [112, 0], sizes = [8, 1024], strides = [1, 1]} : vector<1024x1024xf32> to vector<8x1024xf32>
    %add3A_41 = arith.addf %add3A_39, %slice3A_40 : vector<8x1024xf32>
    %slice3A_42 = vector.extract_strided_slice %get3A_3 {offsets = [120, 0], sizes = [8, 1024], strides = [1, 1]} : vector<1024x1024xf32> to vector<8x1024xf32>
    %add3A_43 = arith.addf %add3A_41, %slice3A_42 : vector<8x1024xf32>
    %slice3A_44 = vector.extract_strided_slice %get3A_3 {offsets = [128, 0], sizes = [8, 1024], strides = [1, 1]} : vector<1024x1024xf32> to vector<8x1024xf32>
    %add3A_45 = arith.addf %add3A_43, %slice3A_44 : vector<8x1024xf32>
    %slice3A_46 = vector.extract_strided_slice %get3A_3 {offsets = [136, 0], sizes = [8, 1024], strides = [1, 1]} : vector<1024x1024xf32> to vector<8x1024xf32>
    %add3A_47 = arith.addf %add3A_45, %slice3A_46 : vector<8x1024xf32>
    %slice3A_48 = vector.extract_strided_slice %get3A_3 {offsets = [144, 0], sizes = [8, 1024], strides = [1, 1]} : vector<1024x1024xf32> to vector<8x1024xf32>
    %add3A_49 = arith.addf %add3A_47, %slice3A_48 : vector<8x1024xf32>
    %slice3A_50 = vector.extract_strided_slice %get3A_3 {offsets = [152, 0], sizes = [8, 1024], strides = [1, 1]} : vector<1024x1024xf32> to vector<8x1024xf32>
    %add3A_51 = arith.addf %add3A_49, %slice3A_50 : vector<8x1024xf32>
    %slice3A_52 = vector.extract_strided_slice %get3A_3 {offsets = [160, 0], sizes = [8, 1024], strides = [1, 1]} : vector<1024x1024xf32> to vector<8x1024xf32>
    %add3A_53 = arith.addf %add3A_51, %slice3A_52 : vector<8x1024xf32>
    %slice3A_54 = vector.extract_strided_slice %get3A_3 {offsets = [168, 0], sizes = [8, 1024], strides = [1, 1]} : vector<1024x1024xf32> to vector<8x1024xf32>
    %add3A_55 = arith.addf %add3A_53, %slice3A_54 : vector<8x1024xf32>
    %slice3A_56 = vector.extract_strided_slice %get3A_3 {offsets = [176, 0], sizes = [8, 1024], strides = [1, 1]} : vector<1024x1024xf32> to vector<8x1024xf32>
    %add3A_57 = arith.addf %add3A_55, %slice3A_56 : vector<8x1024xf32>
    %slice3A_58 = vector.extract_strided_slice %get3A_3 {offsets = [184, 0], sizes = [8, 1024], strides = [1, 1]} : vector<1024x1024xf32> to vector<8x1024xf32>
    %add3A_59 = arith.addf %add3A_57, %slice3A_58 : vector<8x1024xf32>
    %slice3A_60 = vector.extract_strided_slice %get3A_3 {offsets = [192, 0], sizes = [8, 1024], strides = [1, 1]} : vector<1024x1024xf32> to vector<8x1024xf32>
    %add3A_61 = arith.addf %add3A_59, %slice3A_60 : vector<8x1024xf32>
    %slice3A_62 = vector.extract_strided_slice %get3A_3 {offsets = [200, 0], sizes = [8, 1024], strides = [1, 1]} : vector<1024x1024xf32> to vector<8x1024xf32>
    %add3A_63 = arith.addf %add3A_61, %slice3A_62 : vector<8x1024xf32>
    %slice3A_64 = vector.extract_strided_slice %get3A_3 {offsets = [208, 0], sizes = [8, 1024], strides = [1, 1]} : vector<1024x1024xf32> to vector<8x1024xf32>
    %add3A_65 = arith.addf %add3A_63, %slice3A_64 : vector<8x1024xf32>
    %slice3A_66 = vector.extract_strided_slice %get3A_3 {offsets = [216, 0], sizes = [8, 1024], strides = [1, 1]} : vector<1024x1024xf32> to vector<8x1024xf32>
    %add3A_67 = arith.addf %add3A_65, %slice3A_66 : vector<8x1024xf32>
    %slice3A_68 = vector.extract_strided_slice %get3A_3 {offsets = [224, 0], sizes = [8, 1024], strides = [1, 1]} : vector<1024x1024xf32> to vector<8x1024xf32>
    %add3A_69 = arith.addf %add3A_67, %slice3A_68 : vector<8x1024xf32>
    %slice3A_70 = vector.extract_strided_slice %get3A_3 {offsets = [232, 0], sizes = [8, 1024], strides = [1, 1]} : vector<1024x1024xf32> to vector<8x1024xf32>
    %add3A_71 = arith.addf %add3A_69, %slice3A_70 : vector<8x1024xf32>
    %slice3A_72 = vector.extract_strided_slice %get3A_3 {offsets = [240, 0], sizes = [8, 1024], strides = [1, 1]} : vector<1024x1024xf32> to vector<8x1024xf32>
    %add3A_73 = arith.addf %add3A_71, %slice3A_72 : vector<8x1024xf32>
    %slice3A_74 = vector.extract_strided_slice %get3A_3 {offsets = [248, 0], sizes = [8, 1024], strides = [1, 1]} : vector<1024x1024xf32> to vector<8x1024xf32>
    %add3A_75 = arith.addf %add3A_73, %slice3A_74 : vector<8x1024xf32>
    %slice3A_76 = vector.extract_strided_slice %add3A_75 {offsets = [0, 0], sizes = [4, 1024], strides = [1, 1]} : vector<8x1024xf32> to vector<4x1024xf32>
    %slice3A_77 = vector.extract_strided_slice %add3A_75 {offsets = [4, 0], sizes = [4, 1024], strides = [1, 1]} : vector<8x1024xf32> to vector<4x1024xf32>
    %add3A_78 = arith.addf %slice3A_76, %slice3A_77 : vector<4x1024xf32>
    %slice3A_79 = vector.extract_strided_slice %add3A_78 {offsets = [0, 0], sizes = [2, 1024], strides = [1, 1]} : vector<4x1024xf32> to vector<2x1024xf32>
    %slice3A_80 = vector.extract_strided_slice %add3A_78 {offsets = [2, 0], sizes = [2, 1024], strides = [1, 1]} : vector<4x1024xf32> to vector<2x1024xf32>
    %add3A_81 = arith.addf %slice3A_79, %slice3A_80 : vector<2x1024xf32>
    %slice3A_82 = vector.extract_strided_slice %add3A_81 {offsets = [0, 0], sizes = [1, 1024], strides = [1, 1]} : vector<2x1024xf32> to vector<1x1024xf32>
    %slice3A_83 = vector.extract_strided_slice %add3A_81 {offsets = [1, 0], sizes = [1, 1024], strides = [1, 1]} : vector<2x1024xf32> to vector<1x1024xf32>
    %add3A_84 = arith.addf %slice3A_82, %slice3A_83 : vector<1x1024xf32>
    %slice3A_85 = vector.extract_strided_slice %get3A_3 {offsets = [256, 0], sizes = [8, 1024], strides = [1, 1]} : vector<1024x1024xf32> to vector<8x1024xf32>
    %slice3A_86 = vector.extract_strided_slice %get3A_3 {offsets = [264, 0], sizes = [8, 1024], strides = [1, 1]} : vector<1024x1024xf32> to vector<8x1024xf32>
    %add3A_87 = arith.addf %slice3A_85, %slice3A_86 : vector<8x1024xf32>
    %slice3A_88 = vector.extract_strided_slice %get3A_3 {offsets = [272, 0], sizes = [8, 1024], strides = [1, 1]} : vector<1024x1024xf32> to vector<8x1024xf32>
    %add3A_89 = arith.addf %add3A_87, %slice3A_88 : vector<8x1024xf32>
    %slice3A_90 = vector.extract_strided_slice %get3A_3 {offsets = [280, 0], sizes = [8, 1024], strides = [1, 1]} : vector<1024x1024xf32> to vector<8x1024xf32>
    %add3A_91 = arith.addf %add3A_89, %slice3A_90 : vector<8x1024xf32>
    %slice3A_92 = vector.extract_strided_slice %get3A_3 {offsets = [288, 0], sizes = [8, 1024], strides = [1, 1]} : vector<1024x1024xf32> to vector<8x1024xf32>
    %add3A_93 = arith.addf %add3A_91, %slice3A_92 : vector<8x1024xf32>
    %slice3A_94 = vector.extract_strided_slice %get3A_3 {offsets = [296, 0], sizes = [8, 1024], strides = [1, 1]} : vector<1024x1024xf32> to vector<8x1024xf32>
    %add3A_95 = arith.addf %add3A_93, %slice3A_94 : vector<8x1024xf32>
    %slice3A_96 = vector.extract_strided_slice %get3A_3 {offsets = [304, 0], sizes = [8, 1024], strides = [1, 1]} : vector<1024x1024xf32> to vector<8x1024xf32>
    %add3A_97 = arith.addf %add3A_95, %slice3A_96 : vector<8x1024xf32>
    %slice3A_98 = vector.extract_strided_slice %get3A_3 {offsets = [312, 0], sizes = [8, 1024], strides = [1, 1]} : vector<1024x1024xf32> to vector<8x1024xf32>
    %add3A_99 = arith.addf %add3A_97, %slice3A_98 : vector<8x1024xf32>
    %slice3A_100 = vector.extract_strided_slice %get3A_3 {offsets = [320, 0], sizes = [8, 1024], strides = [1, 1]} : vector<1024x1024xf32> to vector<8x1024xf32>
    %add3A_101 = arith.addf %add3A_99, %slice3A_100 : vector<8x1024xf32>
    %slice3A_102 = vector.extract_strided_slice %get3A_3 {offsets = [328, 0], sizes = [8, 1024], strides = [1, 1]} : vector<1024x1024xf32> to vector<8x1024xf32>
    %add3A_103 = arith.addf %add3A_101, %slice3A_102 : vector<8x1024xf32>
    %slice3A_104 = vector.extract_strided_slice %get3A_3 {offsets = [336, 0], sizes = [8, 1024], strides = [1, 1]} : vector<1024x1024xf32> to vector<8x1024xf32>
    %add3A_105 = arith.addf %add3A_103, %slice3A_104 : vector<8x1024xf32>
    %slice3A_106 = vector.extract_strided_slice %get3A_3 {offsets = [344, 0], sizes = [8, 1024], strides = [1, 1]} : vector<1024x1024xf32> to vector<8x1024xf32>
    %add3A_107 = arith.addf %add3A_105, %slice3A_106 : vector<8x1024xf32>
    %slice3A_108 = vector.extract_strided_slice %get3A_3 {offsets = [352, 0], sizes = [8, 1024], strides = [1, 1]} : vector<1024x1024xf32> to vector<8x1024xf32>
    %add3A_109 = arith.addf %add3A_107, %slice3A_108 : vector<8x1024xf32>
    %slice3A_110 = vector.extract_strided_slice %get3A_3 {offsets = [360, 0], sizes = [8, 1024], strides = [1, 1]} : vector<1024x1024xf32> to vector<8x1024xf32>
    %add3A_111 = arith.addf %add3A_109, %slice3A_110 : vector<8x1024xf32>
    %slice3A_112 = vector.extract_strided_slice %get3A_3 {offsets = [368, 0], sizes = [8, 1024], strides = [1, 1]} : vector<1024x1024xf32> to vector<8x1024xf32>
    %add3A_113 = arith.addf %add3A_111, %slice3A_112 : vector<8x1024xf32>
    %slice3A_114 = vector.extract_strided_slice %get3A_3 {offsets = [376, 0], sizes = [8, 1024], strides = [1, 1]} : vector<1024x1024xf32> to vector<8x1024xf32>
    %add3A_115 = arith.addf %add3A_113, %slice3A_114 : vector<8x1024xf32>
    %slice3A_116 = vector.extract_strided_slice %get3A_3 {offsets = [384, 0], sizes = [8, 1024], strides = [1, 1]} : vector<1024x1024xf32> to vector<8x1024xf32>
    %add3A_117 = arith.addf %add3A_115, %slice3A_116 : vector<8x1024xf32>
    %slice3A_118 = vector.extract_strided_slice %get3A_3 {offsets = [392, 0], sizes = [8, 1024], strides = [1, 1]} : vector<1024x1024xf32> to vector<8x1024xf32>
    %add3A_119 = arith.addf %add3A_117, %slice3A_118 : vector<8x1024xf32>
    %slice3A_120 = vector.extract_strided_slice %get3A_3 {offsets = [400, 0], sizes = [8, 1024], strides = [1, 1]} : vector<1024x1024xf32> to vector<8x1024xf32>
    %add3A_121 = arith.addf %add3A_119, %slice3A_120 : vector<8x1024xf32>
    %slice3A_122 = vector.extract_strided_slice %get3A_3 {offsets = [408, 0], sizes = [8, 1024], strides = [1, 1]} : vector<1024x1024xf32> to vector<8x1024xf32>
    %add3A_123 = arith.addf %add3A_121, %slice3A_122 : vector<8x1024xf32>
    %slice3A_124 = vector.extract_strided_slice %get3A_3 {offsets = [416, 0], sizes = [8, 1024], strides = [1, 1]} : vector<1024x1024xf32> to vector<8x1024xf32>
    %add3A_125 = arith.addf %add3A_123, %slice3A_124 : vector<8x1024xf32>
    %slice3A_126 = vector.extract_strided_slice %get3A_3 {offsets = [424, 0], sizes = [8, 1024], strides = [1, 1]} : vector<1024x1024xf32> to vector<8x1024xf32>
    %add3A_127 = arith.addf %add3A_125, %slice3A_126 : vector<8x1024xf32>
    %slice3A_128 = vector.extract_strided_slice %get3A_3 {offsets = [432, 0], sizes = [8, 1024], strides = [1, 1]} : vector<1024x1024xf32> to vector<8x1024xf32>
    %add3A_129 = arith.addf %add3A_127, %slice3A_128 : vector<8x1024xf32>
    %slice3A_130 = vector.extract_strided_slice %get3A_3 {offsets = [440, 0], sizes = [8, 1024], strides = [1, 1]} : vector<1024x1024xf32> to vector<8x1024xf32>
    %add3A_131 = arith.addf %add3A_129, %slice3A_130 : vector<8x1024xf32>
    %slice3A_132 = vector.extract_strided_slice %get3A_3 {offsets = [448, 0], sizes = [8, 1024], strides = [1, 1]} : vector<1024x1024xf32> to vector<8x1024xf32>
    %add3A_133 = arith.addf %add3A_131, %slice3A_132 : vector<8x1024xf32>
    %slice3A_134 = vector.extract_strided_slice %get3A_3 {offsets = [456, 0], sizes = [8, 1024], strides = [1, 1]} : vector<1024x1024xf32> to vector<8x1024xf32>
    %add3A_135 = arith.addf %add3A_133, %slice3A_134 : vector<8x1024xf32>
    %slice3A_136 = vector.extract_strided_slice %get3A_3 {offsets = [464, 0], sizes = [8, 1024], strides = [1, 1]} : vector<1024x1024xf32> to vector<8x1024xf32>
    %add3A_137 = arith.addf %add3A_135, %slice3A_136 : vector<8x1024xf32>
    %slice3A_138 = vector.extract_strided_slice %get3A_3 {offsets = [472, 0], sizes = [8, 1024], strides = [1, 1]} : vector<1024x1024xf32> to vector<8x1024xf32>
    %add3A_139 = arith.addf %add3A_137, %slice3A_138 : vector<8x1024xf32>
    %slice3A_140 = vector.extract_strided_slice %get3A_3 {offsets = [480, 0], sizes = [8, 1024], strides = [1, 1]} : vector<1024x1024xf32> to vector<8x1024xf32>
    %add3A_141 = arith.addf %add3A_139, %slice3A_140 : vector<8x1024xf32>
    %slice3A_142 = vector.extract_strided_slice %get3A_3 {offsets = [488, 0], sizes = [8, 1024], strides = [1, 1]} : vector<1024x1024xf32> to vector<8x1024xf32>
    %add3A_143 = arith.addf %add3A_141, %slice3A_142 : vector<8x1024xf32>
    %slice3A_144 = vector.extract_strided_slice %get3A_3 {offsets = [496, 0], sizes = [8, 1024], strides = [1, 1]} : vector<1024x1024xf32> to vector<8x1024xf32>
    %add3A_145 = arith.addf %add3A_143, %slice3A_144 : vector<8x1024xf32>
    %slice3A_146 = vector.extract_strided_slice %get3A_3 {offsets = [504, 0], sizes = [8, 1024], strides = [1, 1]} : vector<1024x1024xf32> to vector<8x1024xf32>
    %add3A_147 = arith.addf %add3A_145, %slice3A_146 : vector<8x1024xf32>
    %slice3A_148 = vector.extract_strided_slice %add3A_147 {offsets = [0, 0], sizes = [4, 1024], strides = [1, 1]} : vector<8x1024xf32> to vector<4x1024xf32>
    %slice3A_149 = vector.extract_strided_slice %add3A_147 {offsets = [4, 0], sizes = [4, 1024], strides = [1, 1]} : vector<8x1024xf32> to vector<4x1024xf32>
    %add3A_150 = arith.addf %slice3A_148, %slice3A_149 : vector<4x1024xf32>
    %slice3A_151 = vector.extract_strided_slice %add3A_150 {offsets = [0, 0], sizes = [2, 1024], strides = [1, 1]} : vector<4x1024xf32> to vector<2x1024xf32>
    %slice3A_152 = vector.extract_strided_slice %add3A_150 {offsets = [2, 0], sizes = [2, 1024], strides = [1, 1]} : vector<4x1024xf32> to vector<2x1024xf32>
    %add3A_153 = arith.addf %slice3A_151, %slice3A_152 : vector<2x1024xf32>
    %slice3A_154 = vector.extract_strided_slice %add3A_153 {offsets = [0, 0], sizes = [1, 1024], strides = [1, 1]} : vector<2x1024xf32> to vector<1x1024xf32>
    %slice3A_155 = vector.extract_strided_slice %add3A_153 {offsets = [1, 0], sizes = [1, 1024], strides = [1, 1]} : vector<2x1024xf32> to vector<1x1024xf32>
    %add3A_156 = arith.addf %slice3A_154, %slice3A_155 : vector<1x1024xf32>
    %add3A_157 = arith.addf %add3A_84, %add3A_156 : vector<1x1024xf32>
    %slice3A_158 = vector.extract_strided_slice %get3A_3 {offsets = [512, 0], sizes = [8, 1024], strides = [1, 1]} : vector<1024x1024xf32> to vector<8x1024xf32>
    %slice3A_159 = vector.extract_strided_slice %get3A_3 {offsets = [520, 0], sizes = [8, 1024], strides = [1, 1]} : vector<1024x1024xf32> to vector<8x1024xf32>
    %add3A_160 = arith.addf %slice3A_158, %slice3A_159 : vector<8x1024xf32>
    %slice3A_161 = vector.extract_strided_slice %get3A_3 {offsets = [528, 0], sizes = [8, 1024], strides = [1, 1]} : vector<1024x1024xf32> to vector<8x1024xf32>
    %add3A_162 = arith.addf %add3A_160, %slice3A_161 : vector<8x1024xf32>
    %slice3A_163 = vector.extract_strided_slice %get3A_3 {offsets = [536, 0], sizes = [8, 1024], strides = [1, 1]} : vector<1024x1024xf32> to vector<8x1024xf32>
    %add3A_164 = arith.addf %add3A_162, %slice3A_163 : vector<8x1024xf32>
    %slice3A_165 = vector.extract_strided_slice %get3A_3 {offsets = [544, 0], sizes = [8, 1024], strides = [1, 1]} : vector<1024x1024xf32> to vector<8x1024xf32>
    %add3A_166 = arith.addf %add3A_164, %slice3A_165 : vector<8x1024xf32>
    %slice3A_167 = vector.extract_strided_slice %get3A_3 {offsets = [552, 0], sizes = [8, 1024], strides = [1, 1]} : vector<1024x1024xf32> to vector<8x1024xf32>
    %add3A_168 = arith.addf %add3A_166, %slice3A_167 : vector<8x1024xf32>
    %slice3A_169 = vector.extract_strided_slice %get3A_3 {offsets = [560, 0], sizes = [8, 1024], strides = [1, 1]} : vector<1024x1024xf32> to vector<8x1024xf32>
    %add3A_170 = arith.addf %add3A_168, %slice3A_169 : vector<8x1024xf32>
    %slice3A_171 = vector.extract_strided_slice %get3A_3 {offsets = [568, 0], sizes = [8, 1024], strides = [1, 1]} : vector<1024x1024xf32> to vector<8x1024xf32>
    %add3A_172 = arith.addf %add3A_170, %slice3A_171 : vector<8x1024xf32>
    %slice3A_173 = vector.extract_strided_slice %get3A_3 {offsets = [576, 0], sizes = [8, 1024], strides = [1, 1]} : vector<1024x1024xf32> to vector<8x1024xf32>
    %add3A_174 = arith.addf %add3A_172, %slice3A_173 : vector<8x1024xf32>
    %slice3A_175 = vector.extract_strided_slice %get3A_3 {offsets = [584, 0], sizes = [8, 1024], strides = [1, 1]} : vector<1024x1024xf32> to vector<8x1024xf32>
    %add3A_176 = arith.addf %add3A_174, %slice3A_175 : vector<8x1024xf32>
    %slice3A_177 = vector.extract_strided_slice %get3A_3 {offsets = [592, 0], sizes = [8, 1024], strides = [1, 1]} : vector<1024x1024xf32> to vector<8x1024xf32>
    %add3A_178 = arith.addf %add3A_176, %slice3A_177 : vector<8x1024xf32>
    %slice3A_179 = vector.extract_strided_slice %get3A_3 {offsets = [600, 0], sizes = [8, 1024], strides = [1, 1]} : vector<1024x1024xf32> to vector<8x1024xf32>
    %add3A_180 = arith.addf %add3A_178, %slice3A_179 : vector<8x1024xf32>
    %slice3A_181 = vector.extract_strided_slice %get3A_3 {offsets = [608, 0], sizes = [8, 1024], strides = [1, 1]} : vector<1024x1024xf32> to vector<8x1024xf32>
    %add3A_182 = arith.addf %add3A_180, %slice3A_181 : vector<8x1024xf32>
    %slice3A_183 = vector.extract_strided_slice %get3A_3 {offsets = [616, 0], sizes = [8, 1024], strides = [1, 1]} : vector<1024x1024xf32> to vector<8x1024xf32>
    %add3A_184 = arith.addf %add3A_182, %slice3A_183 : vector<8x1024xf32>
    %slice3A_185 = vector.extract_strided_slice %get3A_3 {offsets = [624, 0], sizes = [8, 1024], strides = [1, 1]} : vector<1024x1024xf32> to vector<8x1024xf32>
    %add3A_186 = arith.addf %add3A_184, %slice3A_185 : vector<8x1024xf32>
    %slice3A_187 = vector.extract_strided_slice %get3A_3 {offsets = [632, 0], sizes = [8, 1024], strides = [1, 1]} : vector<1024x1024xf32> to vector<8x1024xf32>
    %add3A_188 = arith.addf %add3A_186, %slice3A_187 : vector<8x1024xf32>
    %slice3A_189 = vector.extract_strided_slice %get3A_3 {offsets = [640, 0], sizes = [8, 1024], strides = [1, 1]} : vector<1024x1024xf32> to vector<8x1024xf32>
    %add3A_190 = arith.addf %add3A_188, %slice3A_189 : vector<8x1024xf32>
    %slice3A_191 = vector.extract_strided_slice %get3A_3 {offsets = [648, 0], sizes = [8, 1024], strides = [1, 1]} : vector<1024x1024xf32> to vector<8x1024xf32>
    %add3A_192 = arith.addf %add3A_190, %slice3A_191 : vector<8x1024xf32>
    %slice3A_193 = vector.extract_strided_slice %get3A_3 {offsets = [656, 0], sizes = [8, 1024], strides = [1, 1]} : vector<1024x1024xf32> to vector<8x1024xf32>
    %add3A_194 = arith.addf %add3A_192, %slice3A_193 : vector<8x1024xf32>
    %slice3A_195 = vector.extract_strided_slice %get3A_3 {offsets = [664, 0], sizes = [8, 1024], strides = [1, 1]} : vector<1024x1024xf32> to vector<8x1024xf32>
    %add3A_196 = arith.addf %add3A_194, %slice3A_195 : vector<8x1024xf32>
    %slice3A_197 = vector.extract_strided_slice %get3A_3 {offsets = [672, 0], sizes = [8, 1024], strides = [1, 1]} : vector<1024x1024xf32> to vector<8x1024xf32>
    %add3A_198 = arith.addf %add3A_196, %slice3A_197 : vector<8x1024xf32>
    %slice3A_199 = vector.extract_strided_slice %get3A_3 {offsets = [680, 0], sizes = [8, 1024], strides = [1, 1]} : vector<1024x1024xf32> to vector<8x1024xf32>
    %add3A_200 = arith.addf %add3A_198, %slice3A_199 : vector<8x1024xf32>
    %slice3A_201 = vector.extract_strided_slice %get3A_3 {offsets = [688, 0], sizes = [8, 1024], strides = [1, 1]} : vector<1024x1024xf32> to vector<8x1024xf32>
    %add3A_202 = arith.addf %add3A_200, %slice3A_201 : vector<8x1024xf32>
    %slice3A_203 = vector.extract_strided_slice %get3A_3 {offsets = [696, 0], sizes = [8, 1024], strides = [1, 1]} : vector<1024x1024xf32> to vector<8x1024xf32>
    %add3A_204 = arith.addf %add3A_202, %slice3A_203 : vector<8x1024xf32>
    %slice3A_205 = vector.extract_strided_slice %get3A_3 {offsets = [704, 0], sizes = [8, 1024], strides = [1, 1]} : vector<1024x1024xf32> to vector<8x1024xf32>
    %add3A_206 = arith.addf %add3A_204, %slice3A_205 : vector<8x1024xf32>
    %slice3A_207 = vector.extract_strided_slice %get3A_3 {offsets = [712, 0], sizes = [8, 1024], strides = [1, 1]} : vector<1024x1024xf32> to vector<8x1024xf32>
    %add3A_208 = arith.addf %add3A_206, %slice3A_207 : vector<8x1024xf32>
    %slice3A_209 = vector.extract_strided_slice %get3A_3 {offsets = [720, 0], sizes = [8, 1024], strides = [1, 1]} : vector<1024x1024xf32> to vector<8x1024xf32>
    %add3A_210 = arith.addf %add3A_208, %slice3A_209 : vector<8x1024xf32>
    %slice3A_211 = vector.extract_strided_slice %get3A_3 {offsets = [728, 0], sizes = [8, 1024], strides = [1, 1]} : vector<1024x1024xf32> to vector<8x1024xf32>
    %add3A_212 = arith.addf %add3A_210, %slice3A_211 : vector<8x1024xf32>
    %slice3A_213 = vector.extract_strided_slice %get3A_3 {offsets = [736, 0], sizes = [8, 1024], strides = [1, 1]} : vector<1024x1024xf32> to vector<8x1024xf32>
    %add3A_214 = arith.addf %add3A_212, %slice3A_213 : vector<8x1024xf32>
    %slice3A_215 = vector.extract_strided_slice %get3A_3 {offsets = [744, 0], sizes = [8, 1024], strides = [1, 1]} : vector<1024x1024xf32> to vector<8x1024xf32>
    %add3A_216 = arith.addf %add3A_214, %slice3A_215 : vector<8x1024xf32>
    %slice3A_217 = vector.extract_strided_slice %get3A_3 {offsets = [752, 0], sizes = [8, 1024], strides = [1, 1]} : vector<1024x1024xf32> to vector<8x1024xf32>
    %add3A_218 = arith.addf %add3A_216, %slice3A_217 : vector<8x1024xf32>
    %slice3A_219 = vector.extract_strided_slice %get3A_3 {offsets = [760, 0], sizes = [8, 1024], strides = [1, 1]} : vector<1024x1024xf32> to vector<8x1024xf32>
    %add3A_220 = arith.addf %add3A_218, %slice3A_219 : vector<8x1024xf32>
    %slice3A_221 = vector.extract_strided_slice %add3A_220 {offsets = [0, 0], sizes = [4, 1024], strides = [1, 1]} : vector<8x1024xf32> to vector<4x1024xf32>
    %slice3A_222 = vector.extract_strided_slice %add3A_220 {offsets = [4, 0], sizes = [4, 1024], strides = [1, 1]} : vector<8x1024xf32> to vector<4x1024xf32>
    %add3A_223 = arith.addf %slice3A_221, %slice3A_222 : vector<4x1024xf32>
    %slice3A_224 = vector.extract_strided_slice %add3A_223 {offsets = [0, 0], sizes = [2, 1024], strides = [1, 1]} : vector<4x1024xf32> to vector<2x1024xf32>
    %slice3A_225 = vector.extract_strided_slice %add3A_223 {offsets = [2, 0], sizes = [2, 1024], strides = [1, 1]} : vector<4x1024xf32> to vector<2x1024xf32>
    %add3A_226 = arith.addf %slice3A_224, %slice3A_225 : vector<2x1024xf32>
    %slice3A_227 = vector.extract_strided_slice %add3A_226 {offsets = [0, 0], sizes = [1, 1024], strides = [1, 1]} : vector<2x1024xf32> to vector<1x1024xf32>
    %slice3A_228 = vector.extract_strided_slice %add3A_226 {offsets = [1, 0], sizes = [1, 1024], strides = [1, 1]} : vector<2x1024xf32> to vector<1x1024xf32>
    %add3A_229 = arith.addf %slice3A_227, %slice3A_228 : vector<1x1024xf32>
    %add3A_230 = arith.addf %add3A_157, %add3A_229 : vector<1x1024xf32>
    %slice3A_231 = vector.extract_strided_slice %get3A_3 {offsets = [768, 0], sizes = [8, 1024], strides = [1, 1]} : vector<1024x1024xf32> to vector<8x1024xf32>
    %slice3A_232 = vector.extract_strided_slice %get3A_3 {offsets = [776, 0], sizes = [8, 1024], strides = [1, 1]} : vector<1024x1024xf32> to vector<8x1024xf32>
    %add3A_233 = arith.addf %slice3A_231, %slice3A_232 : vector<8x1024xf32>
    %slice3A_234 = vector.extract_strided_slice %get3A_3 {offsets = [784, 0], sizes = [8, 1024], strides = [1, 1]} : vector<1024x1024xf32> to vector<8x1024xf32>
    %add3A_235 = arith.addf %add3A_233, %slice3A_234 : vector<8x1024xf32>
    %slice3A_236 = vector.extract_strided_slice %get3A_3 {offsets = [792, 0], sizes = [8, 1024], strides = [1, 1]} : vector<1024x1024xf32> to vector<8x1024xf32>
    %add3A_237 = arith.addf %add3A_235, %slice3A_236 : vector<8x1024xf32>
    %slice3A_238 = vector.extract_strided_slice %get3A_3 {offsets = [800, 0], sizes = [8, 1024], strides = [1, 1]} : vector<1024x1024xf32> to vector<8x1024xf32>
    %add3A_239 = arith.addf %add3A_237, %slice3A_238 : vector<8x1024xf32>
    %slice3A_240 = vector.extract_strided_slice %get3A_3 {offsets = [808, 0], sizes = [8, 1024], strides = [1, 1]} : vector<1024x1024xf32> to vector<8x1024xf32>
    %add3A_241 = arith.addf %add3A_239, %slice3A_240 : vector<8x1024xf32>
    %slice3A_242 = vector.extract_strided_slice %get3A_3 {offsets = [816, 0], sizes = [8, 1024], strides = [1, 1]} : vector<1024x1024xf32> to vector<8x1024xf32>
    %add3A_243 = arith.addf %add3A_241, %slice3A_242 : vector<8x1024xf32>
    %slice3A_244 = vector.extract_strided_slice %get3A_3 {offsets = [824, 0], sizes = [8, 1024], strides = [1, 1]} : vector<1024x1024xf32> to vector<8x1024xf32>
    %add3A_245 = arith.addf %add3A_243, %slice3A_244 : vector<8x1024xf32>
    %slice3A_246 = vector.extract_strided_slice %get3A_3 {offsets = [832, 0], sizes = [8, 1024], strides = [1, 1]} : vector<1024x1024xf32> to vector<8x1024xf32>
    %add3A_247 = arith.addf %add3A_245, %slice3A_246 : vector<8x1024xf32>
    %slice3A_248 = vector.extract_strided_slice %get3A_3 {offsets = [840, 0], sizes = [8, 1024], strides = [1, 1]} : vector<1024x1024xf32> to vector<8x1024xf32>
    %add3A_249 = arith.addf %add3A_247, %slice3A_248 : vector<8x1024xf32>
    %slice3A_250 = vector.extract_strided_slice %get3A_3 {offsets = [848, 0], sizes = [8, 1024], strides = [1, 1]} : vector<1024x1024xf32> to vector<8x1024xf32>
    %add3A_251 = arith.addf %add3A_249, %slice3A_250 : vector<8x1024xf32>
    %slice3A_252 = vector.extract_strided_slice %get3A_3 {offsets = [856, 0], sizes = [8, 1024], strides = [1, 1]} : vector<1024x1024xf32> to vector<8x1024xf32>
    %add3A_253 = arith.addf %add3A_251, %slice3A_252 : vector<8x1024xf32>
    %slice3A_254 = vector.extract_strided_slice %get3A_3 {offsets = [864, 0], sizes = [8, 1024], strides = [1, 1]} : vector<1024x1024xf32> to vector<8x1024xf32>
    %add3A_255 = arith.addf %add3A_253, %slice3A_254 : vector<8x1024xf32>
    %slice3A_256 = vector.extract_strided_slice %get3A_3 {offsets = [872, 0], sizes = [8, 1024], strides = [1, 1]} : vector<1024x1024xf32> to vector<8x1024xf32>
    %add3A_257 = arith.addf %add3A_255, %slice3A_256 : vector<8x1024xf32>
    %slice3A_258 = vector.extract_strided_slice %get3A_3 {offsets = [880, 0], sizes = [8, 1024], strides = [1, 1]} : vector<1024x1024xf32> to vector<8x1024xf32>
    %add3A_259 = arith.addf %add3A_257, %slice3A_258 : vector<8x1024xf32>
    %slice3A_260 = vector.extract_strided_slice %get3A_3 {offsets = [888, 0], sizes = [8, 1024], strides = [1, 1]} : vector<1024x1024xf32> to vector<8x1024xf32>
    %add3A_261 = arith.addf %add3A_259, %slice3A_260 : vector<8x1024xf32>
    %slice3A_262 = vector.extract_strided_slice %get3A_3 {offsets = [896, 0], sizes = [8, 1024], strides = [1, 1]} : vector<1024x1024xf32> to vector<8x1024xf32>
    %add3A_263 = arith.addf %add3A_261, %slice3A_262 : vector<8x1024xf32>
    %slice3A_264 = vector.extract_strided_slice %get3A_3 {offsets = [904, 0], sizes = [8, 1024], strides = [1, 1]} : vector<1024x1024xf32> to vector<8x1024xf32>
    %add3A_265 = arith.addf %add3A_263, %slice3A_264 : vector<8x1024xf32>
    %slice3A_266 = vector.extract_strided_slice %get3A_3 {offsets = [912, 0], sizes = [8, 1024], strides = [1, 1]} : vector<1024x1024xf32> to vector<8x1024xf32>
    %add3A_267 = arith.addf %add3A_265, %slice3A_266 : vector<8x1024xf32>
    %slice3A_268 = vector.extract_strided_slice %get3A_3 {offsets = [920, 0], sizes = [8, 1024], strides = [1, 1]} : vector<1024x1024xf32> to vector<8x1024xf32>
    %add3A_269 = arith.addf %add3A_267, %slice3A_268 : vector<8x1024xf32>
    %slice3A_270 = vector.extract_strided_slice %get3A_3 {offsets = [928, 0], sizes = [8, 1024], strides = [1, 1]} : vector<1024x1024xf32> to vector<8x1024xf32>
    %add3A_271 = arith.addf %add3A_269, %slice3A_270 : vector<8x1024xf32>
    %slice3A_272 = vector.extract_strided_slice %get3A_3 {offsets = [936, 0], sizes = [8, 1024], strides = [1, 1]} : vector<1024x1024xf32> to vector<8x1024xf32>
    %add3A_273 = arith.addf %add3A_271, %slice3A_272 : vector<8x1024xf32>
    %slice3A_274 = vector.extract_strided_slice %get3A_3 {offsets = [944, 0], sizes = [8, 1024], strides = [1, 1]} : vector<1024x1024xf32> to vector<8x1024xf32>
    %add3A_275 = arith.addf %add3A_273, %slice3A_274 : vector<8x1024xf32>
    %slice3A_276 = vector.extract_strided_slice %get3A_3 {offsets = [952, 0], sizes = [8, 1024], strides = [1, 1]} : vector<1024x1024xf32> to vector<8x1024xf32>
    %add3A_277 = arith.addf %add3A_275, %slice3A_276 : vector<8x1024xf32>
    %slice3A_278 = vector.extract_strided_slice %get3A_3 {offsets = [960, 0], sizes = [8, 1024], strides = [1, 1]} : vector<1024x1024xf32> to vector<8x1024xf32>
    %add3A_279 = arith.addf %add3A_277, %slice3A_278 : vector<8x1024xf32>
    %slice3A_280 = vector.extract_strided_slice %get3A_3 {offsets = [968, 0], sizes = [8, 1024], strides = [1, 1]} : vector<1024x1024xf32> to vector<8x1024xf32>
    %add3A_281 = arith.addf %add3A_279, %slice3A_280 : vector<8x1024xf32>
    %slice3A_282 = vector.extract_strided_slice %get3A_3 {offsets = [976, 0], sizes = [8, 1024], strides = [1, 1]} : vector<1024x1024xf32> to vector<8x1024xf32>
    %add3A_283 = arith.addf %add3A_281, %slice3A_282 : vector<8x1024xf32>
    %slice3A_284 = vector.extract_strided_slice %get3A_3 {offsets = [984, 0], sizes = [8, 1024], strides = [1, 1]} : vector<1024x1024xf32> to vector<8x1024xf32>
    %add3A_285 = arith.addf %add3A_283, %slice3A_284 : vector<8x1024xf32>
    %slice3A_286 = vector.extract_strided_slice %get3A_3 {offsets = [992, 0], sizes = [8, 1024], strides = [1, 1]} : vector<1024x1024xf32> to vector<8x1024xf32>
    %add3A_287 = arith.addf %add3A_285, %slice3A_286 : vector<8x1024xf32>
    %slice3A_288 = vector.extract_strided_slice %get3A_3 {offsets = [1000, 0], sizes = [8, 1024], strides = [1, 1]} : vector<1024x1024xf32> to vector<8x1024xf32>
    %add3A_289 = arith.addf %add3A_287, %slice3A_288 : vector<8x1024xf32>
    %slice3A_290 = vector.extract_strided_slice %get3A_3 {offsets = [1008, 0], sizes = [8, 1024], strides = [1, 1]} : vector<1024x1024xf32> to vector<8x1024xf32>
    %add3A_291 = arith.addf %add3A_289, %slice3A_290 : vector<8x1024xf32>
    %slice3A_292 = vector.extract_strided_slice %get3A_3 {offsets = [1016, 0], sizes = [8, 1024], strides = [1, 1]} : vector<1024x1024xf32> to vector<8x1024xf32>
    %add3A_293 = arith.addf %add3A_291, %slice3A_292 : vector<8x1024xf32>
    %slice3A_294 = vector.extract_strided_slice %add3A_293 {offsets = [0, 0], sizes = [4, 1024], strides = [1, 1]} : vector<8x1024xf32> to vector<4x1024xf32>
    %slice3A_295 = vector.extract_strided_slice %add3A_293 {offsets = [4, 0], sizes = [4, 1024], strides = [1, 1]} : vector<8x1024xf32> to vector<4x1024xf32>
    %add3A_296 = arith.addf %slice3A_294, %slice3A_295 : vector<4x1024xf32>
    %slice3A_297 = vector.extract_strided_slice %add3A_296 {offsets = [0, 0], sizes = [2, 1024], strides = [1, 1]} : vector<4x1024xf32> to vector<2x1024xf32>
    %slice3A_298 = vector.extract_strided_slice %add3A_296 {offsets = [2, 0], sizes = [2, 1024], strides = [1, 1]} : vector<4x1024xf32> to vector<2x1024xf32>
    %add3A_299 = arith.addf %slice3A_297, %slice3A_298 : vector<2x1024xf32>
    %slice3A_300 = vector.extract_strided_slice %add3A_299 {offsets = [0, 0], sizes = [1, 1024], strides = [1, 1]} : vector<2x1024xf32> to vector<1x1024xf32>
    %slice3A_301 = vector.extract_strided_slice %add3A_299 {offsets = [1, 0], sizes = [1, 1024], strides = [1, 1]} : vector<2x1024xf32> to vector<1x1024xf32>
    %add3A_302 = arith.addf %slice3A_300, %slice3A_301 : vector<1x1024xf32>
    %add3A_303 = arith.addf %add3A_230, %add3A_302 : vector<1x1024xf32>
    %convert_element_type3A_304 = arith.fptosi %add3A_303 : vector<1x1024xf32> to vector<1x1024xi32>
    %swap3A_305 = arith.constant 0 : index
    %swap3A_306 = arith.constant 0 : index
    %swap3A_307 = arith.constant 0 : index
    %swap3A_308 = vector.load %arg4[%swap3A_305, %swap3A_306, %swap3A_307] : memref<1x1x1024xi32, #tpu.memory_space<vmem>>, vector<1x1x1024xi32>
    %swap3A_309 = vector.shape_cast %swap3A_308 : vector<1x1x1024xi32> to vector<1x1024xi32>
    %swap3A_310 = vector.shape_cast %convert_element_type3A_304 : vector<1x1024xi32> to vector<1x1x1024xi32>
    tpu.vector_store %arg4[%swap3A_305, %swap3A_306, %swap3A_307], %swap3A_310 {strides = array<i32>} : memref<1x1x1024xi32, #tpu.memory_space<vmem>>, vector<1x1x1024xi32>,
    return
  }
  func.func @transform_0(%arg0: i32, %arg1: i32) -> (i32, i32, i32) {
    %c0_i32 = arith.constant 0 : i32
    %c0_i32_0 = arith.constant 0 : i32
    return %arg0, %c0_i32, %arg1 : i32, i32, i32
  }
  func.func @transform_1(%arg0: i32, %arg1: i32) -> (i32, i32, i32) {
    %c0_i32 = arith.constant 0 : i32
    %c0_i32_0 = arith.constant 0 : i32
    return %arg0, %c0_i32, %arg1 : i32, i32, i32
  }
  func.func @transform_2(%arg0: i32, %arg1: i32) -> (i32, i32, i32) {
    %c0_i32 = arith.constant 0 : i32
    %c0_i32_0 = arith.constant 0 : i32
    return %arg0, %c0_i32, %arg1 : i32, i32, i32
  }
}

</mosaic_0001>

<sc_bundles>
// kernel: kernel.5.cloned.1.call-start
scs
__scs_entry_jumppad:
0x0: {  	(pc) =	sbr.rel $0x88, $3  }
0x1: {  	(tag) =	ssettag $0x0;
	lr =	simm.s32 $0x1  }
0x2: {  	[smem:$0x3F9F] =	sst lr;
	_ =	strace $0xD0000000  }
0x3: {  	_ = 	snop  }
0x4: {  	_ = 	snop  }
0x5: {  	_ = 	snop  }
0x6: {  	_ = 	snop  }
0x7: {  	_ = 	snop  }
__scs_overlays_trampoline_lowered:
0x8: {  	[smem:$0x3FAE] =	sst s0  }
0x9: {  	[smem:$0x3FAF] =	sst s1  }
0xa: {  	[smem:$0x3FB0] =	sst s2  }
0xb: {  	[smem:$0x3FB1] =	sst s3  }
0xc: {  	[smem:$0x3FB2] =	sst s4  }
0xd: {  	[smem:$0x3FB3] =	sst s5  }
0xe: {  	[smem:$0x3FB4] =	sst s6  }
0xf: {  	[smem:$0x3FB5] =	sst s7  }
0x10: {  	[smem:$0x3FB6] =	sst s8  }
0x11: {  	[smem:$0x3FB7] =	sst s9;
	s0 =	simm.s32 @!p0 $0x0  }
0x12: {  	s1 =	sld [smem:$0x3F9D];
	s0 =	simm.s32 @p0 $0x1  }
0x13: {  	[smem:$0x3FB8] =	sst s0;
	s0 =	simm.s32 @!p1 $0x0  }
0x14: {  	s2 =	sld [smem:$0x3F9C];
	s0 =	simm.s32 @p1 $0x1  }
0x15: {  	[smem:$0x3FB9] =	sst s0;
	s0 =	simm.s32 @!p2 $0x0  }
0x16: {  	s3 =	sld [smem:$0x3FDB];
	s0 =	simm.s32 @p2 $0x1  }
0x17: {  	s4 =	simm.s32 $0x1BF5;
	[smem:$0x3FBB] =	sst s0  }
0x18: {  	s0 =	sld [smem:$0x3F9E];
	_ =	swait.ge [sflag:s4], $0x0  }
0x19: {  	s7 =	sld [smem:$0x3F9F]  }
0x1a: {  	s8 =	sadd.s32 $0xFFFFE003, lr  }
0x1b: {  	s9 =	sadd.s32 $0xFFFFFEF7, lr;
	s5 =	simm.s32 $0xFFFFFFFF;
	p2 =	slt.u32 s8, $0xFFFFF086  }
0x1c: {  	p1 =	slt.u32 s9, $0xF7A;
	s5 =	simm.s32 @!p2 $0x0  }
0x1d: {  	s5 =	simm.s32 @p1 $0x1;
	p0 =	seq.s32 s7, s2  }
0x1e: {  	s7 =	smul.u32 @!p0 $0xF7A, s2;
	p2 =	seq.s32 @!p0 s5, $0x0  }
0x1f: {  	s9 =	smul.u32 $0xF7A, s1;
	s8 =	simm.s32 @!p0 $0x1BF5;
	p2 =	por !p2, p0  }
0x20: {  	[sflag:s8] =	ssyncset.s32 @!p0 $0xFFFFF086;
	s6 =	sadd.s32 @!p0 s3, s7;
	s7 =	simm.s32 @!p0 $0x108  }
0x21: {  	s3 =	sadd.s32 s3, s9;
	s6 =	sadd.s32 @!p0 $0x88, s6;
	s7 =	simm.s32 @p2 $0x1082  }
0x22: {  	[simem:s7], [sflag:s8] =	dma.local @!p0 [hbm:s6], $0xF7A  }
0x23: {  	s9 =	sor.u32 $0xD0000000, s2;
	s6 =	simm.s32 $0x108;
	_ =	swait.ge @!p0 [sflag:s8], $0x0  }
0x24: {  	s3 =	sadd.s32 $0x88, s3;
	s6 =	simm.s32 @!p1 $0x1082;
	[sflag:s4] =	ssyncset.s32 $0xFFFFF086  }
0x25: {  	[simem:s6], [sflag:s4] =	dma.local [hbm:s3], $0xF7A  }
0x26: {  	[smem:$0x3F9F] =	sst s1;
	(tag) =	ssettag s2;
	_ =	strace s9  }
0x27: {  	s1 =	sld [smem:$0x3FAF]  }
0x28: {  	s2 =	sld [smem:$0x3FB0]  }
0x29: {  	s4 =	sld [smem:$0x3FB2]  }
0x2a: {  	p0 =	seq.s32 s5, $0x0;
	s5 =	sld [smem:$0x3FB3]  }
0x2b: {  	s6 =	sld [smem:$0x3FB4]  }
0x2c: {  	s7 =	sld [smem:$0x3FB5]  }
0x2d: {  	s3 =	simm.s32 $0x108;
	s8 =	sld [smem:$0x3FB6]  }
0x2e: {  	s3 =	simm.s32 @!p0 $0x1082;
	s9 =	sld [smem:$0x3FB7]  }
0x2f: {  	lr =	sadd.s32 s0, s3;
	s0 =	sld [smem:$0x3FAE]  }
0x30: {  	s3 =	sld [smem:$0x3FB1]  }
0x31: {  	[smem:$0x3FBA] =	sst s10  }
0x32: {  	s10 =	sld [smem:$0x3FB8];
	_ =	sdelay $0x3  }
0x33: {  	p0 =	seq.s32 s10, $0x1;
	s10 =	sld [smem:$0x3FBA];
	_ =	sdelay $0x3  }
0x34: {  	[smem:$0x3FBA] =	sst s10  }
0x35: {  	s10 =	sld [smem:$0x3FB9];
	_ =	sdelay $0x3  }
0x36: {  	p1 =	seq.s32 s10, $0x1;
	s10 =	sld [smem:$0x3FBA];
	_ =	sdelay $0x3  }
0x37: {  	[smem:$0x3FBA] =	sst s10  }
0x38: {  	s10 =	sld [smem:$0x3FBB]  }
0x39: {  	_ = 	snop;
	(pc) =	sbr.ind lr, $3  }
0x3a: {  	_ = 	snop  }
0x3b: {  	_ = 	snop  }
0x3c: {  	p2 =	seq.s32 s10, $0x1;
	s10 =	sld [smem:$0x3FBA]  }
0x3d: {  	_ =	shalt  }
0x3e: {  	_ =	shalt  }
0x3f: {  	_ =	shalt  }
0x40: {  	_ =	shalt  }
0x41: {  	_ =	shalt  }
0x42: {  	_ =	shalt  }
0x43: {  	_ =	shalt  }
0x44: {  	_ =	shalt  }
0x45: {  	_ =	shalt  }
0x46: {  	_ =	shalt  }
0x47: {  	_ =	shalt  }
0x48: {  	_ =	shalt  }
0x49: {  	_ =	shalt  }
0x4a: {  	_ =	shalt  }
0x4b: {  	_ =	shalt  }
0x4c: {  	_ =	shalt  }
0x4d: {  	_ =	shalt  }
0x4e: {  	_ =	shalt  }
0x4f: {  	_ =	shalt  }
0x50: {  	_ =	shalt  }
0x51: {  	_ =	shalt  }
0x52: {  	_ =	shalt  }
0x53: {  	_ =	shalt  }
0x54: {  	_ =	shalt  }
0x55: {  	_ =	shalt  }
0x56: {  	_ =	shalt  }
0x57: {  	_ =	shalt  }
0x58: {  	_ =	shalt  }
0x59: {  	_ =	shalt  }
0x5a: {  	_ =	shalt  }
0x5b: {  	_ =	shalt  }
0x5c: {  	_ =	shalt  }
0x5d: {  	_ =	shalt  }
0x5e: {  	_ =	shalt  }
0x5f: {  	_ =	shalt  }
0x60: {  	_ =	shalt  }
0x61: {  	_ =	shalt  }
0x62: {  	_ =	shalt  }
0x63: {  	_ =	shalt  }
0x64: {  	_ =	shalt  }
0x65: {  	_ =	shalt  }
0x66: {  	_ =	shalt  }
0x67: {  	_ =	shalt  }
0x68: {  	_ =	shalt  }
0x69: {  	_ =	shalt  }
0x6a: {  	_ =	shalt  }
0x6b: {  	_ =	shalt  }
0x6c: {  	_ =	shalt  }
0x6d: {  	_ =	shalt  }
0x6e: {  	_ =	shalt  }
0x6f: {  	_ =	shalt  }
0x70: {  	_ =	shalt  }
0x71: {  	_ =	shalt  }
0x72: {  	_ =	shalt  }
0x73: {  	_ =	shalt  }
0x74: {  	_ =	shalt  }
0x75: {  	_ =	shalt  }
0x76: {  	_ =	shalt  }
0x77: {  	_ =	shalt  }
0x78: {  	_ =	shalt  }
0x79: {  	_ =	shalt  }
0x7a: {  	_ =	shalt  }
0x7b: {  	_ =	shalt  }
0x7c: {  	_ =	shalt  }
0x7d: {  	_ =	shalt  }
0x7e: {  	_ =	shalt  }
0x7f: {  	_ =	shalt  }
0x80: {  	_ =	shalt  }
0x81: {  	_ =	shalt  }
0x82: {  	_ =	shalt  }
0x83: {  	_ =	shalt  }
0x84: {  	_ =	shalt  }
0x85: {  	_ =	shalt  }
0x86: {  	_ =	shalt  }
0x87: {  	_ =	shalt  }
.Lfunc_end0:
.L_simem_size_0:
called_computation_lowered:
.L_overlay_start_0:
0x88: {  	s2 =	sld [smem:$0x3FD9]  }
0x89: {  	s3 =	sld [smem:$0x3FFE];
	_ =	sdelay $0x1  }
0x8a: {  	s1 =	srdreg.scid  }
0x8b: {  	s0 =	sand.u32 $0x1, s1  }
0x8c: {  	s14 =	sshll.u32 s0, $0xA;
	s2 =	sadd.s32 s3, s2  }
0x8d: {  	s2 =	sadd.s32 s2, s14  }
0x8e: {  	[smem:$0x3FC6] =	sst s2  }
0x8f: {  	_ = 	snop  }
0x90: {  	s2 =	sld [smem:$0x3FD0];
	_ =	sdelay $0x2  }
0x91: {  	s4 =	simm.s32 $0xA;
	s5 =	simm.s32 $0x10;
	s15 =	sld [smem:$0x3FC8]  }
0x92: {  	[smem:s5], [sflag:s4] =	dma.local [hbm:s2], $0x1  }
0x93: {  	_ =	swait.eq [sflag:s4], $0x1  }
0x94: {  	[sflag:s4] =	ssyncset.done $0x0  }
0x95: {  	[sflag:s4] =	ssyncadd.s32 $0xFFFFFFFF  }
0x96: {  	s16 =	sld [smem:$0x11];
	(tm) =	ssettm $0x1  }
0x97: {  	s17 =	sld [smem:$0x3FFB];
	_ =	sdelay $0x3  }
0x98: {  	_ =	strace s17  }
0x99: {  	s4 =	sld [smem:$0x3FFC];
	_ =	sdelay $0x3  }
0x9a: {  	_ =	strace s4  }
0x9b: {  	s4 =	sld [smem:$0x3FFD];
	_ =	sdelay $0x3  }
0x9c: {  	_ =	strace s4  }
0x9d: {  	_ =	strace $0x8FFFFFFF  }
0x9e: {  	s18 =	sld [smem:$0x3FDB];
	_ =	sdelay $0x1  }
0x9f: {  	s19 =	simm.s32 $_scs_section_size  }
0xa0: {  	s6 =	simm.s32 $_size__tile_overlayer_lowered;
	s7 =	simm.s32 $_tile_overlayer_lowered  }
0xa1: {  	s22 =	simm.s32 $0x1BFF;
	s21 =	sshll.u32 s7, $0x1;
	s4 =	sadd.s32 s19, s18  }
0xa2: {  	s8 =	simm.s32 $0x0;
	s20 =	sshll.u32 s6, $0x1;
	s6 =	sadd.s32 s21, s4  }
0xa3: {  	[timem:s8], [sflag:s22] =	dma.local [hbm:s6], s20  }
0xa4: {  	_ =	swait.ge [sflag:s22], s20  }
0xa5: {  	s5 =	ssub.s32 $0x0, s20;
	[sflag:s22] =	ssyncset.done $0x0  }
0xa6: {  	[sflag:s22] =	ssyncadd.s32 s5;
	_ =	sdelay $0x1  }
0xa7: {  	s23 =	simm.s32 $0x1B8B  }
0xa8: {  	_ =	swait.ge [sflag:s23], $0x1  }
0xa9: {  	[sflag:s23] =	ssyncset.done $0x0  }
0xaa: {  	s25 =	simm.s32 $0x1B8E;
	s24 =	sld [smem:$0x3FFE];
	[sflag:s23] =	ssyncadd.s32 $0xFFFFFFFF  }
0xab: {  	s26 =	simm.s32 $execute0_lowered;
	[smem:$0x3FD2] =	sst s25  }
0xac: {  	s6 =	sshll.u32 s26, $0x1;
	_ =	strace $0x80000046;
	[dreg:$0x1] =	wrdreg $0xFFFFFFFF  }
0xad: {  	s28 =	simm.s32 $_size_execute0_lowered;
	s4 =	sadd.s32 s4, s6;
	[dreg:$0x0] =	wrdreg $0x0  }
0xae: {  	s6 =	sshll.u32 s28, $0x1;
	[dreg:$0x2] =	wrdreg s4  }
0xaf: {  	[dreg:$0x3] =	wrdreg s6  }
0xb0: {  	[dreg:$0x4] =	wrdreg $0xC0  }
0xb1: {  	_ =	task [dreg:s8], $0x5FFFF  }
0xb2: {  	[dreg:$0x1] =	wrdreg $0xFFFFFFFF  }
0xb3: {  	[dreg:$0x0] =	wrdreg $0x60  }
0xb4: {  	[dreg:$0x2] =	wrdreg s15  }
0xb5: {  	[dreg:$0x3] =	wrdreg s24  }
0xb6: {  	[dreg:$0x4] =	wrdreg s16  }
0xb7: {  	[dreg:$0x5] =	wrdreg $0x104000  }
0xb8: {  	[dreg:$0x6] =	wrdreg $0x9  }
0xb9: {  	_ =	task.clear_ibuf [dreg:s8], $0x7FFFF;
	_ =	strace $0x90000046  }
0xba: {  	s29 =	simm.s32 $0x9;
	_ =	strace $0x80000048  }
0xbb: {  	_ =	swait.ge [sflag:s29], $0x1  }
0xbc: {  	[sflag:s29] =	ssyncadd.s32 $0xFFFFFFFF  }
0xbd: {  	_ =	strace $0x90000048  }
0xbe: {  	_ =	sfence  }
0xbf: {  	s30 =	sld [smem:$0x0];
	_ =	sdelay $0x2  }
0xc0: {  	s31 =	sshll.u32 s1, $0xD;
	s1 =	sshrl.u32 s1, $0x2  }
0xc1: {  	s3 =	sand.u32 $0x4000, s31;
	s1 =	sadd.s32 s1, s30  }
0xc2: {  	s0 =	sor.u32 s3, s0;
	s1 =	sshll.u32 s1, $0x11  }
0xc3: {  	s0 =	sor.u32 s1, s0  }
0xc4: {  	s0 =	sadd.s32 $0x8F2B, s0  }
0xc5: {  	[sflag:s0] =	ssyncadd.remote.s32 $0x1  }
0xc6: {  	_ =	sfence.sel $0xFFFF  }
0xc7: {  	[dreg:$0x0] =	wrdreg $0xFFFFFFFF;
	(pc) =	sbr.abs _section_cstart, $3  }
0xc8: {  	[dreg:$0x1] =	wrdreg $0xFFFFFFFF  }
0xc9: {  	_ =	task.clear_ibuf [dreg:s8], $0x2FFFF;
	_ =	strace $0x9FFFFFFF  }
0xca: {  	(tm) =	ssettm $0x7FFFFFFF  }
0xcb: {  	_ =	shalt  }
tec
execute0_lowered:
.L_overlay_start_1:
0x0: {  	(tag) =	ssettag $0x1  }
0x1: {  	s4 =	rddreg [dreg:$0x0]  }
0x2: {  	s8 =	rddreg [dreg:$0x1]  }
0x3: {  	s17 =	rddreg [dreg:$0x2]  }
0x4: {  	s2 =	rddreg [dreg:$0x3];
	s3 =	simm.s32 $0x0;
	s5 =	srdreg.scid  }
0x5: {  	s1 =	stileid.u32;
	[smem:$0x7FF] =	sst s3  }
0x6: {  	s31 =	sand.u32 $0x1, s5;
	s24 =	sshll.u32 s1, $0x1;
	s25 =	sshll.u32 s1, $0xE  }
0x7: {  	s6 =	sshll.u32 s1, $0xB;
	s26 =	sshll.u32 s1, $0x6;
	_ =	strace $0x80000047  }
0x8: {  	s18 =	sor.u32 s31, s24;
	s7 =	sadd.s32 s25, s2;
	s4 =	sadd.s32 s4, s6  }
0x9: {  	s5 =	sor.u32 $0x1C03, s26;
	s6 =	sshrl.u32 s7, $0x3;
	s7 =	simm.s32 $0x3  }
0xa: {  	[spmem:s6], [sflag:s5] =	dma.local [hbm:s4], $0x800  }
0xb: {  	s9 =	sshll.u32 s18, $0x7;
	_ =	swait.ge [sflag:s7], $0x800  }
0xc: {  	s8 =	sadd.s32 s9, s8;
	[sflag:s7] =	ssyncset.done $0x0  }
0xd: {  	s8 =	sadd.s32 $0xA00, s8;
	[sflag:s7] =	ssyncadd.s32 $0xFFFFF800  }
0xe: {  	[tilespmem:s3], [sflag:$0x3] =	stream.linear.gather [hbm4b:s8+s3], $0x400, $0x38;
	[tilespmem:$0x14400] =	vst v63  }
0xf: {  	_ =	swait.ge [sflag:s7], $0x400  }
0x10: {  	[sflag:s7] =	ssyncset.done $0x0  }
0x11: {  	[sflag:s7] =	ssyncadd.s32 $0xFFFFFC00  }
0x12: {  	s10 =	simm.s32 $0x400;
	s9 =	simm.s32 $0x80;
	[bflag:$0x0] =	sbarrier.arrive $0xFFFF  }
0x13: {  	[tilespmem:s10], [sflag:$0x1] =	stream.indirect.gather [spmem:s2], $0x80, s3, s9, $0xb8;
	[tilespmem:$0x14400] =	vst v63  }
0x14: {  	s11 =	simm.s32 $0x4400  }
0x15: {  	[tilespmem:s11], [sflag:$0x1] =	stream.indirect.gather [spmem:s2], $0x80, s9, s9, $0xb8;
	[tilespmem:$0x14400] =	vst v63  }
0x16: {  	s12 =	simm.s32 $0x100;
	s13 =	simm.s32 $0x8400  }
0x17: {  	[tilespmem:s13], [sflag:$0x1] =	stream.indirect.gather [spmem:s2], $0x80, s12, s9, $0xb8;
	[tilespmem:$0x14400] =	vst v63  }
0x18: {  	s14 =	simm.s32 $0x180;
	s15 =	simm.s32 $0xC400;
	s16 =	simm.s32 $0x1  }
0x19: {  	[tilespmem:s15], [sflag:$0x1] =	stream.indirect.gather [spmem:s2], $0x80, s14, s9, $0xb8;
	[tilespmem:$0x14400] =	vst v63  }
0x1a: {  	_ =	swait.ge [sflag:s16], $0x4000  }
0x1b: {  	s18 =	sshll.u32 s18, $0xE;
	[sflag:s16] =	ssyncset.done $0x0  }
0x1c: {  	s17 =	sadd.s32 s17, s18;
	[sflag:s16] =	ssyncadd.s32 $0xFFFFC000  }
0x1d: {  	[hbm4b:s17+s3] =	stream.linear.scatter [tilespmem:s10], [sflag:$0x2], $0x4000, $0x38;
	[tilespmem:$0x14400] =	vst v63  }
0x1e: {  	_ =	swait.ge [sflag:s16], $0x4000  }
0x1f: {  	[sflag:s16] =	ssyncset.done $0x0  }
0x20: {  	s18 =	sadd.s32 $0x800, s17;
	[sflag:s16] =	ssyncadd.s32 $0xFFFFC000  }
0x21: {  	[hbm4b:s18+s3] =	stream.linear.scatter [tilespmem:s11], [sflag:$0x2], $0x4000, $0x38;
	[tilespmem:$0x14400] =	vst v63  }
0x22: {  	_ =	swait.ge [sflag:s16], $0x4000  }
0x23: {  	[sflag:s16] =	ssyncset.done $0x0  }
0x24: {  	s19 =	sadd.s32 $0x1000, s17;
	[sflag:s16] =	ssyncadd.s32 $0xFFFFC000  }
0x25: {  	[hbm4b:s19+s3] =	stream.linear.scatter [tilespmem:s13], [sflag:$0x2], $0x4000, $0x38;
	[tilespmem:$0x14400] =	vst v63  }
0x26: {  	_ =	swait.ge [sflag:s16], $0x4000  }
0x27: {  	[sflag:s16] =	ssyncset.done $0x0  }
0x28: {  	s20 =	simm.s32 $0x2;
	s21 =	sadd.s32 $0x1800, s17;
	[sflag:s16] =	ssyncadd.s32 $0xFFFFC000  }
0x29: {  	[hbm4b:s21+s3] =	stream.linear.scatter [tilespmem:s15], [sflag:$0x2], $0x4000, $0x38;
	[tilespmem:$0x14400] =	vst v63  }
0x2a: {  	_ =	swait.ge [sflag:s20], $0x4000  }
0x2b: {  	[sflag:s20] =	ssyncset.done $0x0  }
0x2c: {  	s22 =	simm.s32 $0x200;
	[sflag:s20] =	ssyncadd.s32 $0xFFFFC000  }
0x2d: {  	[tilespmem:s10], [sflag:$0x1] =	stream.indirect.gather [spmem:s2], $0x80, s22, s9, $0xb8;
	[tilespmem:$0x14400] =	vst v63  }
0x2e: {  	_ =	swait.ge [sflag:s20], $0x4000  }
0x2f: {  	[sflag:s20] =	ssyncset.done $0x0  }
0x30: {  	s23 =	simm.s32 $0x280;
	[sflag:s20] =	ssyncadd.s32 $0xFFFFC000  }
0x31: {  	[tilespmem:s11], [sflag:$0x1] =	stream.indirect.gather [spmem:s2], $0x80, s23, s9, $0xb8;
	[tilespmem:$0x14400] =	vst v63  }
0x32: {  	_ =	swait.ge [sflag:s20], $0x4000  }
0x33: {  	[sflag:s20] =	ssyncset.done $0x0  }
0x34: {  	s24 =	simm.s32 $0x300;
	[sflag:s20] =	ssyncadd.s32 $0xFFFFC000  }
0x35: {  	[tilespmem:s13], [sflag:$0x1] =	stream.indirect.gather [spmem:s2], $0x80, s24, s9, $0xb8;
	[tilespmem:$0x14400] =	vst v63  }
0x36: {  	_ =	swait.ge [sflag:s20], $0x4000  }
0x37: {  	[sflag:s20] =	ssyncset.done $0x0  }
0x38: {  	s25 =	simm.s32 $0x380;
	[sflag:s20] =	ssyncadd.s32 $0xFFFFC000  }
0x39: {  	[tilespmem:s15], [sflag:$0x1] =	stream.indirect.gather [spmem:s2], $0x80, s25, s9, $0xb8;
	[tilespmem:$0x14400] =	vst v63  }
0x3a: {  	_ =	swait.ge [sflag:s16], $0x4000  }
0x3b: {  	[sflag:s16] =	ssyncset.done $0x0  }
0x3c: {  	s26 =	sadd.s32 $0x2000, s17;
	[sflag:s16] =	ssyncadd.s32 $0xFFFFC000  }
0x3d: {  	[hbm4b:s26+s3] =	stream.linear.scatter [tilespmem:s10], [sflag:$0x2], $0x4000, $0x38;
	[tilespmem:$0x14400] =	vst v63  }
0x3e: {  	_ =	swait.ge [sflag:s16], $0x4000  }
0x3f: {  	[sflag:s16] =	ssyncset.done $0x0  }
0x40: {  	s28 =	sadd.s32 $0x2800, s17;
	[sflag:s16] =	ssyncadd.s32 $0xFFFFC000  }
0x41: {  	[hbm4b:s28+s3] =	stream.linear.scatter [tilespmem:s11], [sflag:$0x2], $0x4000, $0x38;
	[tilespmem:$0x14400] =	vst v63  }
0x42: {  	_ =	swait.ge [sflag:s16], $0x4000  }
0x43: {  	[sflag:s16] =	ssyncset.done $0x0  }
0x44: {  	s29 =	sadd.s32 $0x3000, s17;
	[sflag:s16] =	ssyncadd.s32 $0xFFFFC000  }
0x45: {  	[hbm4b:s29+s3] =	stream.linear.scatter [tilespmem:s13], [sflag:$0x2], $0x4000, $0x38;
	[tilespmem:$0x14400] =	vst v63  }
0x46: {  	_ =	swait.ge [sflag:s16], $0x4000  }
0x47: {  	[sflag:s16] =	ssyncset.done $0x0  }
0x48: {  	s30 =	sadd.s32 $0x3800, s17;
	[sflag:s16] =	ssyncadd.s32 $0xFFFFC000  }
0x49: {  	[hbm4b:s30+s3] =	stream.linear.scatter [tilespmem:s15], [sflag:$0x2], $0x4000, $0x38;
	[tilespmem:$0x14400] =	vst v63  }
0x4a: {  	_ =	swait.ge [sflag:s20], $0x4000  }
0x4b: {  	s31 =	ssub.s32 $0x2, s31;
	[sflag:s20] =	ssyncset.done $0x0  }
0x4c: {  	s0 =	sshrl.u32 s31, $0x1;
	[sflag:s20] =	ssyncadd.s32 $0xFFFFC000  }
0x4d: {  	s0 =	ssub.s32 s31, s0;
	_ =	swait.ge [sflag:s20], $0x4000  }
0x4e: {  	s0 =	smax.u32 s0, $0x1;
	[sflag:s20] =	ssyncset.done $0x0  }
0x4f: {  	p0 =	sne.s32 s0, $0x1;
	[sflag:s20] =	ssyncadd.s32 $0xFFFFC000  }
.Ltmp0:
0x50: {  	_ =	swait.ge [sflag:s20], $0x4000;
	(pc) =	sbr.rel @!p0 .LBB2_2-.Ltmp0, $4  }
0x51: {  	[sflag:s20] =	ssyncset.done $0x0  }
0x52: {  	[sflag:s20] =	ssyncadd.s32 $0xFFFFC000  }
0x53: {  	_ =	swait.ge [sflag:s20], $0x4000  }
0x54: {  	s31 =	sadd.s32 $0xFFFFFFFF, s0;
	[sflag:s20] =	ssyncset.done $0x0  }
.LBB2_1:
0x55: {  	p0 =	sne.s32 s31, $0x1;
	s31 =	sadd.s32 $0xFFFFFFFF, s31;
	[sflag:s20] =	ssyncadd.s32 $0xFFFFC000  }
0x56: {  	[spmem:s6], [sflag:s5] =	dma.local [hbm:s4], $0x800  }
0x57: {  	_ =	swait.ge [sflag:s7], $0x800  }
0x58: {  	[sflag:s7] =	ssyncset.done $0x0  }
0x59: {  	[sflag:s7] =	ssyncadd.s32 $0xFFFFF800  }
0x5a: {  	[tilespmem:s3], [sflag:$0x3] =	stream.linear.gather [hbm4b:s8+s3], $0x400, $0x38;
	[tilespmem:$0x14400] =	vst v63  }
0x5b: {  	_ =	swait.ge [sflag:s7], $0x400  }
0x5c: {  	[sflag:s7] =	ssyncset.done $0x0  }
0x5d: {  	[sflag:s7] =	ssyncadd.s32 $0xFFFFFC00  }
0x5e: {  	[bflag:$0x0] =	sbarrier.arrive $0xFFFF  }
0x5f: {  	[tilespmem:s10], [sflag:$0x1] =	stream.indirect.gather [spmem:s2], $0x80, s3, s9, $0xb8;
	[tilespmem:$0x14400] =	vst v63  }
0x60: {  	_ = 	snop  }
0x61: {  	[tilespmem:s11], [sflag:$0x1] =	stream.indirect.gather [spmem:s2], $0x80, s9, s9, $0xb8;
	[tilespmem:$0x14400] =	vst v63  }
0x62: {  	_ = 	snop  }
0x63: {  	[tilespmem:s13], [sflag:$0x1] =	stream.indirect.gather [spmem:s2], $0x80, s12, s9, $0xb8;
	[tilespmem:$0x14400] =	vst v63  }
0x64: {  	_ = 	snop  }
0x65: {  	[tilespmem:s15], [sflag:$0x1] =	stream.indirect.gather [spmem:s2], $0x80, s14, s9, $0xb8;
	[tilespmem:$0x14400] =	vst v63  }
0x66: {  	_ =	swait.ge [sflag:s16], $0x4000  }
0x67: {  	[sflag:s16] =	ssyncset.done $0x0  }
0x68: {  	[sflag:s16] =	ssyncadd.s32 $0xFFFFC000  }
0x69: {  	[hbm4b:s17+s3] =	stream.linear.scatter [tilespmem:s10], [sflag:$0x2], $0x4000, $0x38;
	[tilespmem:$0x14400] =	vst v63  }
0x6a: {  	_ =	swait.ge [sflag:s16], $0x4000  }
0x6b: {  	[sflag:s16] =	ssyncset.done $0x0  }
0x6c: {  	[sflag:s16] =	ssyncadd.s32 $0xFFFFC000  }
0x6d: {  	[hbm4b:s18+s3] =	stream.linear.scatter [tilespmem:s11], [sflag:$0x2], $0x4000, $0x38;
	[tilespmem:$0x14400] =	vst v63  }
0x6e: {  	_ =	swait.ge [sflag:s16], $0x4000  }
0x6f: {  	[sflag:s16] =	ssyncset.done $0x0  }
0x70: {  	[sflag:s16] =	ssyncadd.s32 $0xFFFFC000  }
0x71: {  	[hbm4b:s19+s3] =	stream.linear.scatter [tilespmem:s13], [sflag:$0x2], $0x4000, $0x38;
	[tilespmem:$0x14400] =	vst v63  }
0x72: {  	_ =	swait.ge [sflag:s16], $0x4000  }
0x73: {  	[sflag:s16] =	ssyncset.done $0x0  }
0x74: {  	[sflag:s16] =	ssyncadd.s32 $0xFFFFC000  }
0x75: {  	[hbm4b:s21+s3] =	stream.linear.scatter [tilespmem:s15], [sflag:$0x2], $0x4000, $0x38;
	[tilespmem:$0x14400] =	vst v63  }
0x76: {  	_ =	swait.ge [sflag:s20], $0x4000  }
0x77: {  	[sflag:s20] =	ssyncset.done $0x0  }
0x78: {  	[sflag:s20] =	ssyncadd.s32 $0xFFFFC000  }
0x79: {  	[tilespmem:s10], [sflag:$0x1] =	stream.indirect.gather [spmem:s2], $0x80, s22, s9, $0xb8;
	[tilespmem:$0x14400] =	vst v63  }
0x7a: {  	_ =	swait.ge [sflag:s20], $0x4000  }
0x7b: {  	[sflag:s20] =	ssyncset.done $0x0  }
0x7c: {  	[sflag:s20] =	ssyncadd.s32 $0xFFFFC000  }
0x7d: {  	[tilespmem:s11], [sflag:$0x1] =	stream.indirect.gather [spmem:s2], $0x80, s23, s9, $0xb8;
	[tilespmem:$0x14400] =	vst v63  }
0x7e: {  	_ =	swait.ge [sflag:s20], $0x4000  }
0x7f: {  	[sflag:s20] =	ssyncset.done $0x0  }
0x80: {  	[sflag:s20] =	ssyncadd.s32 $0xFFFFC000  }
0x81: {  	[tilespmem:s13], [sflag:$0x1] =	stream.indirect.gather [spmem:s2], $0x80, s24, s9, $0xb8;
	[tilespmem:$0x14400] =	vst v63  }
0x82: {  	_ =	swait.ge [sflag:s20], $0x4000  }
0x83: {  	[sflag:s20] =	ssyncset.done $0x0  }
0x84: {  	[sflag:s20] =	ssyncadd.s32 $0xFFFFC000  }
0x85: {  	[tilespmem:s15], [sflag:$0x1] =	stream.indirect.gather [spmem:s2], $0x80, s25, s9, $0xb8;
	[tilespmem:$0x14400] =	vst v63  }
0x86: {  	_ =	swait.ge [sflag:s16], $0x4000  }
0x87: {  	[sflag:s16] =	ssyncset.done $0x0  }
0x88: {  	[sflag:s16] =	ssyncadd.s32 $0xFFFFC000  }
0x89: {  	[hbm4b:s26+s3] =	stream.linear.scatter [tilespmem:s10], [sflag:$0x2], $0x4000, $0x38;
	[tilespmem:$0x14400] =	vst v63  }
0x8a: {  	_ =	swait.ge [sflag:s16], $0x4000  }
0x8b: {  	[sflag:s16] =	ssyncset.done $0x0  }
0x8c: {  	[sflag:s16] =	ssyncadd.s32 $0xFFFFC000  }
0x8d: {  	[hbm4b:s28+s3] =	stream.linear.scatter [tilespmem:s11], [sflag:$0x2], $0x4000, $0x38;
	[tilespmem:$0x14400] =	vst v63  }
0x8e: {  	_ =	swait.ge [sflag:s16], $0x4000  }
0x8f: {  	[sflag:s16] =	ssyncset.done $0x0  }
0x90: {  	[sflag:s16] =	ssyncadd.s32 $0xFFFFC000  }
0x91: {  	[hbm4b:s29+s3] =	stream.linear.scatter [tilespmem:s13], [sflag:$0x2], $0x4000, $0x38;
	[tilespmem:$0x14400] =	vst v63  }
0x92: {  	_ =	swait.ge [sflag:s16], $0x4000  }
0x93: {  	[sflag:s16] =	ssyncset.done $0x0  }
0x94: {  	[sflag:s16] =	ssyncadd.s32 $0xFFFFC000  }
0x95: {  	[hbm4b:s30+s3] =	stream.linear.scatter [tilespmem:s15], [sflag:$0x2], $0x4000, $0x38;
	[tilespmem:$0x14400] =	vst v63  }
0x96: {  	_ =	swait.ge [sflag:s20], $0x4000  }
0x97: {  	[sflag:s20] =	ssyncset.done $0x0  }
0x98: {  	[sflag:s20] =	ssyncadd.s32 $0xFFFFC000  }
0x99: {  	_ =	swait.ge [sflag:s20], $0x4000  }
0x9a: {  	[sflag:s20] =	ssyncset.done $0x0  }
0x9b: {  	[sflag:s20] =	ssyncadd.s32 $0xFFFFC000  }
.Ltmp1:
0x9c: {  	_ =	swait.ge [sflag:s20], $0x4000;
	(pc) =	sbr.rel @p0 .LBB2_1-.Ltmp1, $4  }
0x9d: {  	[sflag:s20] =	ssyncset.done $0x0  }
0x9e: {  	[sflag:s20] =	ssyncadd.s32 $0xFFFFC000  }
0x9f: {  	_ =	swait.ge [sflag:s20], $0x4000  }
0xa0: {  	[sflag:s20] =	ssyncset.done $0x0  }
.LBB2_2:
0xa1: {  	[sflag:s20] =	ssyncadd.s32 $0xFFFFC000  }
0xa2: {  	_ =	sfence.sel $0x180000  }
0xa3: {  	[bflag:$0x0] =	sbarrier.arrive $0xFFFF  }
0xa4: {  	_ =	strace $0x90000047  }
0xa5: {  	[bflag:$0x2] =	sbarrier.arrive $0xFFFF  }
0xa6: {  	p0 =	sne.s32 s1, $0x0;
	s0 =	rddreg [dreg:$0x4]  }
0xa7: {  	s0 =	sadd.s32 @!p0 $0x100000, s0  }
0xa8: {  	[sflag:s0] =	ssyncadd.tile.s32 @!p0 $0x1;
	_ =	shalt  }
.Lfunc_end2:
_tile_overlayer_lowered:
.L_overlay_start_2:
0xa9: {  	(tag) =	ssettag $0x2  }
0xaa: {  	s0 =	rddreg [dreg:$0x0];
	s2 =	stileid.u32  }
0xab: {  	s1 =	rddreg [dreg:$0x1];
	p0 =	sne.s32 s2, $0x0  }
0xac: {  	s3 =	rddreg [dreg:$0x2];
	[bflag:$0x3] =	sbarrier.arrive $0xFFFF;
	s2 =	simm.s32 @!p0 $0x1C03  }
0xad: {  	[timem:s3], [sflag:s2] =	dma.local @!p0 [hbm:s0], s1  }
0xae: {  	s0 =	simm.s32 @!p0 $0x3  }
0xaf: {  	_ =	swait.ge @!p0 [sflag:s0], s1  }
0xb0: {  	s1 =	ssub.s32 @!p0 $0x0, s1;
	[sflag:s0] =	ssyncset.done @!p0 $0x0  }
0xb1: {  	[sflag:s0] =	ssyncadd.s32 @!p0 s1  }
0xb2: {  	[bflag:$0x3] =	sbarrier.arrive $0xFFFF  }
0xb3: {  	_ =	shalt  }

</sc_bundles>
